<compile_context>
chip_gen: v7x
topology: tpu7x:2x2x1
jax: 0.10.2.dev20260603
libtpu: 0.0.44.dev20260713+nightly
codegen_flags: <defaults>
</compile_context>

<pallas_src>
import functools

import jax
import jax.numpy as jnp
from jax import lax
from jax.experimental import pallas as pl
from jax.experimental.pallas import tpu as pltpu
from jax.experimental.pallas import tpu_sc as plsc

CH = 128
NW, NS, L = 32, 16, 16



def _node_body(h_ref, xp_ref, wh_ref, bh_ref, wx_ref, bx_ref, y1_ref, y2_ref):
    hb = h_ref[...]
    m = lax.dot_general(hb, wh_ref[...], (((1,), (1,)), ((), ())),
                        preferred_element_type=jnp.float32)
    y1_ref[...] = jnp.maximum(m + bh_ref[...], 0.0)
    wv = lax.dot_general(hb, wx_ref[...], (((1,), (1,)), ((), ())),
                         preferred_element_type=jnp.float32)
    wv = jnp.maximum(wv + bx_ref[0, 0], 0.0)
    lane = lax.broadcasted_iota(jnp.int32, y2_ref.shape, 1)
    y2_ref[...] = xp_ref[...] * wv + jnp.where(lane == 3, wv, 0.0)


def _node_stage(h, xp, W_h, b_h, W_x, b_x, bn):
    n, d = h.shape
    grid = (n // bn,)
    return pl.pallas_call(
        _node_body,
        grid=grid,
        in_specs=[
            pl.BlockSpec((bn, d), lambda i: (i, 0)),
            pl.BlockSpec((bn, 4), lambda i: (i, 0)),
            pl.BlockSpec((d, d), lambda i: (0, 0)),
            pl.BlockSpec((1, d), lambda i: (0, 0)),
            pl.BlockSpec((4, d), lambda i: (0, 0)),
            pl.BlockSpec(memory_space=pltpu.SMEM),
        ],
        out_specs=[
            pl.BlockSpec((bn, d), lambda i: (i, 0)),
            pl.BlockSpec((bn, 4), lambda i: (i, 0)),
        ],
        out_shape=[
            jax.ShapeDtypeStruct((n, d), jnp.float32),
            jax.ShapeDtypeStruct((n, 4), jnp.float32),
        ],
    )(h, xp, W_h, b_h, W_x, b_x)



def _sc_wide_stage(y1, colf, rowf, n_acc, nq):
    n, d = y1.shape
    r = n_acc // NS
    q_tot = nq // NS
    q0 = (q_tot * 87 + 50) // 100
    q1 = q_tot - q0
    qmax = max(q0, q1)
    mesh = plsc.VectorSubcoreMesh(core_axis_name="c", subcore_axis_name="s")

    @functools.partial(
        pl.kernel,
        mesh=mesh,
        out_type=jax.ShapeDtypeStruct((2, n_acc, d), jnp.float32),
        scratch_types=[
            pltpu.VMEM((2, CH), jnp.int32),
            pltpu.VMEM((2, CH), jnp.int32),
            pltpu.VMEM((2, CH, d), jnp.float32),
            pltpu.VMEM_SHARED((n_acc, d), jnp.float32),
            pltpu.SemaphoreType.DMA((2,)),
            pltpu.SemaphoreType.DMA((2,)),
            pltpu.SemaphoreType.DMA((2,)),
        ],
    )
    def sc_wide(y1_hbm, col_hbm, row_hbm, p1_hbm,
                cvb, rvb, rows1_v, acc1, csems, rsems, gsems):
        c = lax.axis_index("c")
        s = lax.axis_index("s")
        r0 = s * r
        my_q = jnp.where(c == 0, q0, q1)
        base = jnp.where(c == 0, s * q0, NS * q0 + s * q1)

        def zstep(tk, carry):
            rows1_v[0, tk // 8, pl.ds((tk % 8) * L, L)] = jnp.zeros(
                (L,), jnp.float32)
            return carry

        lax.fori_loop(0, CH * 8, zstep, 0)
        nz = r // CH
        for zi in range(nz):
            pltpu.sync_copy(rows1_v.at[0], acc1.at[pl.ds(r0 + zi * CH, CH)])
        if r % CH:
            pltpu.sync_copy(rows1_v.at[0, pl.ds(0, r % CH)],
                            acc1.at[pl.ds(r0 + nz * CH, r % CH)])
        plsc.subcore_barrier()

        def fetch_col(j, t):
            pltpu.async_copy(col_hbm.at[base + j], cvb.at[t], csems.at[t])

        def fetch_row(j, t):
            pltpu.async_copy(row_hbm.at[base + j], rvb.at[t], rsems.at[t])

        def wait_col(j, t):
            pltpu.make_async_copy(col_hbm.at[base + j], cvb.at[t],
                                  csems.at[t]).wait()

        def wait_row(j, t):
            pltpu.make_async_copy(row_hbm.at[base + j], rvb.at[t],
                                  rsems.at[t]).wait()

        def start_gather(t):
            pltpu.async_copy(y1_hbm.at[cvb.at[t]], rows1_v.at[t], gsems.at[t])

        def wait_gather(t):
            pltpu.make_async_copy(y1_hbm.at[cvb.at[t]], rows1_v.at[t],
                                  gsems.at[t]).wait()

        @pl.when(0 < my_q)
        def _():
            fetch_col(0, 0)
            fetch_row(0, 0)

        @pl.when(1 < my_q)
        def _():
            fetch_col(1, 1)
            fetch_row(1, 1)

        @pl.when(0 < my_q)
        def _():
            wait_col(0, 0)
            start_gather(0)

        def step(j, carry):
            t = j % 2

            @pl.when(j + 1 < my_q)
            def _():
                wait_col(j + 1, 1 - t)
                start_gather(1 - t)

            @pl.when(j < my_q)
            def _():
                wait_gather(t)

            @pl.when(j + 2 < my_q)
            def _():
                fetch_col(j + 2, t)

            @pl.when(j < my_q)
            def _():
                wait_row(j, t)
                pltpu.sync_copy(rows1_v.at[t], acc1.at[rvb.at[t]], add=True)

            @pl.when(j + 2 < my_q)
            def _():
                fetch_row(j + 2, t)
            return carry

        lax.fori_loop(0, qmax, step, 0)
        plsc.subcore_barrier()
        pltpu.sync_copy(acc1.at[pl.ds(r0, r)], p1_hbm.at[c, pl.ds(r0, r)])

    return sc_wide(y1, colf, rowf)


def _sc_narrow_stage(y2f, col3, row3, n_acc, nch, n):
    mesh = plsc.VectorSubcoreMesh(core_axis_name="c", subcore_axis_name="s")

    @functools.partial(
        pl.kernel,
        mesh=mesh,
        compiler_params=pltpu.CompilerParams(needs_layout_passes=False),
        out_type=jax.ShapeDtypeStruct((NW, n_acc * 4), jnp.float32),
        scratch_types=[
            pltpu.VMEM((nch, CH), jnp.int32),
            pltpu.VMEM((nch, CH), jnp.int32),
            pltpu.VMEM((n * 4,), jnp.float32),
            pltpu.VMEM((n_acc * 4,), jnp.float32),
        ],
    )
    def sc_narrow(y2_hbm, col_hbm, row_hbm, p2_hbm,
                  col_v, row_v, y2_v, acc2_v):
        c = lax.axis_index("c")
        s = lax.axis_index("s")
        b = c * NS + s

        def zstep(tk, carry):
            for u in range(8):
                acc2_v[pl.ds((tk * 8 + u) * L, L)] = jnp.zeros(
                    (L,), jnp.float32)
            return carry

        lax.fori_loop(0, n_acc * 4 // (8 * L), zstep, 0)
        pltpu.sync_copy(col_hbm.at[b], col_v)
        pltpu.sync_copy(row_hbm.at[b], row_v)
        pltpu.sync_copy(y2_hbm, y2_v)

        def step2(j, carry):
            for k in range(CH // L):
                c16 = col_v[j, pl.ds(k * L, L)]
                r16 = row_v[j, pl.ds(k * L, L)]
                for k4 in range(4):
                    vals = plsc.load_gather(y2_v, [c16 + k4])
                    plsc.addupdate_scatter(acc2_v, [r16 + k4 * n_acc], vals)
            return carry

        lax.fori_loop(0, nch, step2, 0)
        pltpu.sync_copy(acc2_v, p2_hbm.at[b])

    return sc_narrow(y2f, col3, row3)



def _combine_body(h_ref, xpt_ref, p1_ref, p2_ref, hn_ref, xnt_ref):
    s1 = p1_ref[0] + p1_ref[1]
    hn_ref[...] = h_ref[...] + s1

    @pl.when(pl.program_id(0) == 0)
    def _():
        s2t = jnp.sum(p2_ref[...], axis=0)
        wsum = s2t[3:4, :]
        krow = lax.broadcasted_iota(jnp.int32, s2t.shape, 0)
        xw = jnp.where(krow < 3, s2t, 0.0)
        xptb = xpt_ref[...]
        xnt_ref[...] = xptb + xptb * wsum - xw


def _combine_stage(h, xpt, p1, p2, bn):
    n, d = h.shape
    na = xpt.shape[1]
    grid = (n // bn,)
    return pl.pallas_call(
        _combine_body,
        grid=grid,
        in_specs=[
            pl.BlockSpec((bn, d), lambda i: (i, 0)),
            pl.BlockSpec((4, na), lambda i: (0, 0)),
            pl.BlockSpec((2, bn, d), lambda i: (0, i, 0)),
            pl.BlockSpec((NW, 4, na), lambda i: (0, 0, 0)),
        ],
        out_specs=[
            pl.BlockSpec((bn, d), lambda i: (i, 0)),
            pl.BlockSpec((4, na), lambda i: (0, 0)),
        ],
        out_shape=[
            jax.ShapeDtypeStruct((n, d), jnp.float32),
            jax.ShapeDtypeStruct((4, na), jnp.float32),
        ],
    )(h, xpt, p1, p2)



def kernel(h, x, edge_index, W_h, b_h, W_x, b_x):
    n, d = h.shape
    e = edge_index.shape[1]
    nch = -(-e // (NW * CH))
    e_pad = NW * nch * CH
    n_acc = (-(-(n + 1) // (NS * 8)) * 8) * NS

    row = edge_index[0].astype(jnp.int32)
    col = edge_index[1].astype(jnp.int32)
    colp = jnp.concatenate([col, jnp.zeros((e_pad - e,), jnp.int32)])
    rowp = jnp.concatenate([row, jnp.full((e_pad - e,), n, jnp.int32)])
    col3 = colp.reshape(NW, nch, CH)
    row3 = rowp.reshape(NW, nch, CH)
    xp = jnp.concatenate([x, jnp.zeros((n, 1), jnp.float32)], axis=1)

    wx4 = jnp.broadcast_to(W_x, (4, d))
    y1, y2 = _node_stage(h, xp, W_h, b_h.reshape(1, d), wx4,
                         b_x.reshape(1, 1), bn=1000)
    nq = e_pad // CH
    p2 = _sc_narrow_stage(y2.reshape(-1), (col3 * 4), row3, n_acc, nch, n)
    p1 = _sc_wide_stage(y1, colp.reshape(nq, CH), rowp.reshape(nq, CH),
                        n_acc, nq)
    xpt = jnp.concatenate(
        [x.T, jnp.zeros((1, n), jnp.float32)], axis=0)
    xpt = jnp.concatenate(
        [xpt, jnp.zeros((4, n_acc - n), jnp.float32)], axis=1)
    h_new, xnt = _combine_stage(h, xpt, p1, p2.reshape(NW, 4, n_acc), bn=1000)
    return (h_new, xnt[:3, :n].T)

# --- scband reference (transcript-rebuilt; emitter-appended) ---
"""Pipeline reference for scband-egnnlayer-86208583565931 (READ-ONLY COPY).

The authoritative reference and input builder live on the scoring server;
editing this copy changes nothing except your own understanding.
"""

import jax, jax.numpy as jnp
import numpy as np

N = 10000
E = 320000
D_IN = 128
D_OUT = 128


def setup_inputs(seed: int = 0) -> dict:
    key = jax.random.key(seed)
    k_h, k_x, k_ei, k_wh, k_bh, k_wx, k_bx = jax.random.split(key, 7)
    h = jax.random.normal(k_h, (N, D_IN), dtype=jnp.float32)
    x = jax.random.normal(k_x, (N, 3), dtype=jnp.float32)
    edge_index = jax.random.randint(k_ei, (2, E), 0, N, dtype=jnp.int64)
    bound_h = 1.0 / np.sqrt(D_IN)
    W_h = jax.random.uniform(k_wh, (D_OUT, D_IN), dtype=jnp.float32, minval=-bound_h, maxval=bound_h)
    b_h = jax.random.uniform(k_bh, (D_OUT,), dtype=jnp.float32, minval=-bound_h, maxval=bound_h)
    W_x = jax.random.uniform(k_wx, (1, D_IN), dtype=jnp.float32, minval=-bound_h, maxval=bound_h)
    b_x = jax.random.uniform(k_bx, (1,), dtype=jnp.float32, minval=-bound_h, maxval=bound_h)
    return {"h": h, "x": x, "edge_index": edge_index, "W_h": W_h, "b_h": b_h, "W_x": W_x, "b_x": b_x}


def reference(h, x, edge_index, W_h, b_h, W_x, b_x):
    row = edge_index[0]
    col = edge_index[1]
    h_j = jnp.take(h, col, axis=0)
    delta_x = jnp.take(x, row, axis=0) - jnp.take(x, col, axis=0)
    m = jax.nn.relu(h_j @ W_h.T + b_h)
    agg_h = jax.ops.segment_sum(m, row, num_segments=h.shape[0])
    h_new = h + agg_h
    weight = jax.nn.relu(h_j @ W_x.T + b_x)
    weighted_delta = delta_x * weight
    agg_x = jax.ops.segment_sum(weighted_delta, row, num_segments=x.shape[0])
    x_new = x + agg_x
    return (h_new, x_new)

if __name__ == "__main__":
    import jax
    _d = setup_inputs()
    print(jax.jit(kernel)(*tuple(_d.values())))

</pallas_src>

<mosaic_0001>
#map = affine_map<(d0, d1) -> (0)>
#map1 = affine_map<(d0, d1) -> (0, 0, 0)>
#map2 = affine_map<(d0, d1) -> (0, 0)>
module attributes {stable_mosaic.version = 14 : i64} {
  func.func @sc_narrow(%arg0: i32, %arg1: i32, %arg2: memref<40000xf32, #tpu.memory_space<hbm>>, %arg3: memref<32x79x128xi32, #tpu.memory_space<hbm>>, %arg4: memref<32x79x128xi32, #tpu.memory_space<hbm>>, %arg5: memref<32x40448xf32, #tpu.memory_space<hbm>>, %arg6: memref<79x128xi32, #tpu.memory_space<vmem>>, %arg7: memref<79x128xi32, #tpu.memory_space<vmem>>, %arg8: memref<40000xf32, #tpu.memory_space<vmem>>, %arg9: memref<40448xf32, #tpu.memory_space<vmem>>) attributes {dimension_semantics = [#tpu.dimension_semantics<core_parallel>, #tpu.dimension_semantics<subcore_parallel>], iteration_bounds = array<i64: 2, 16>, scalar_prefetch = 0 : i64, scratch_operands = 4 : i64, tpu.core_type = #tpu.core_type<sc_vector_subcore>, window_params = [{transform_indices = #map}, {transform_indices = #map1}, {transform_indices = #map1}, {transform_indices = #map2}]} {
    %mul3A = arith.constant 16 : i32
    %mul3A_0 = arith.muli %arg0, %mul3A : i32
    %add3A = arith.addi %mul3A_0, %arg1 : i32
    %scan3A = arith.constant 0 : i32
    %scan3A_1 = arith.constant 0 : i32
    %scan3A_2 = arith.constant 316 : i32
    %scan3A_3 = arith.addi %scan3A_1, %scan3A_2 : i32
    %scan3A_4 = arith.constant 1 : i32
    scf.for %scan3A_12 = %scan3A_1 to %scan3A_3 step %scan3A_4  : i32 {
      %broadcast_in_dim3A = arith.constant 0.000000e+00 : f32
      %broadcast_in_dim3A_13 = vector.broadcast %broadcast_in_dim3A : f32 to vector<16xf32>
      %mul3A_14 = arith.constant 8 : i32
      %mul3A_15 = arith.muli %scan3A_12, %mul3A_14 : i32
      %add3A_16 = arith.constant 0 : i32
      %add3A_17 = arith.addi %mul3A_15, %add3A_16 : i32
      %mul3A_18 = arith.constant 16 : i32
      %mul3A_19 = arith.muli %add3A_17, %mul3A_18 : i32
      %swap3A = arith.index_cast %mul3A_19 : i32 to index
      %swap3A_20 = tpu.vector_load %arg9[%swap3A] {strides = array<i32>} : memref<40448xf32, #tpu.memory_space<vmem>>, vector<16xf32>,
      tpu.vector_store %arg9[%swap3A], %broadcast_in_dim3A_13 {strides = array<i32>} : memref<40448xf32, #tpu.memory_space<vmem>>, vector<16xf32>,
      %broadcast_in_dim3A_21 = arith.constant 0.000000e+00 : f32
      %broadcast_in_dim3A_22 = vector.broadcast %broadcast_in_dim3A_21 : f32 to vector<16xf32>
      %mul3A_23 = arith.constant 8 : i32
      %mul3A_24 = arith.muli %scan3A_12, %mul3A_23 : i32
      %add3A_25 = arith.constant 1 : i32
      %add3A_26 = arith.addi %mul3A_24, %add3A_25 : i32
      %mul3A_27 = arith.constant 16 : i32
      %mul3A_28 = arith.muli %add3A_26, %mul3A_27 : i32
      %swap3A_29 = arith.index_cast %mul3A_28 : i32 to index
      %swap3A_30 = tpu.vector_load %arg9[%swap3A_29] {strides = array<i32>} : memref<40448xf32, #tpu.memory_space<vmem>>, vector<16xf32>,
      tpu.vector_store %arg9[%swap3A_29], %broadcast_in_dim3A_22 {strides = array<i32>} : memref<40448xf32, #tpu.memory_space<vmem>>, vector<16xf32>,
      %broadcast_in_dim3A_31 = arith.constant 0.000000e+00 : f32
      %broadcast_in_dim3A_32 = vector.broadcast %broadcast_in_dim3A_31 : f32 to vector<16xf32>
      %mul3A_33 = arith.constant 8 : i32
      %mul3A_34 = arith.muli %scan3A_12, %mul3A_33 : i32
      %add3A_35 = arith.constant 2 : i32
      %add3A_36 = arith.addi %mul3A_34, %add3A_35 : i32
      %mul3A_37 = arith.constant 16 : i32
      %mul3A_38 = arith.muli %add3A_36, %mul3A_37 : i32
      %swap3A_39 = arith.index_cast %mul3A_38 : i32 to index
      %swap3A_40 = tpu.vector_load %arg9[%swap3A_39] {strides = array<i32>} : memref<40448xf32, #tpu.memory_space<vmem>>, vector<16xf32>,
      tpu.vector_store %arg9[%swap3A_39], %broadcast_in_dim3A_32 {strides = array<i32>} : memref<40448xf32, #tpu.memory_space<vmem>>, vector<16xf32>,
      %broadcast_in_dim3A_41 = arith.constant 0.000000e+00 : f32
      %broadcast_in_dim3A_42 = vector.broadcast %broadcast_in_dim3A_41 : f32 to vector<16xf32>
      %mul3A_43 = arith.constant 8 : i32
      %mul3A_44 = arith.muli %scan3A_12, %mul3A_43 : i32
      %add3A_45 = arith.constant 3 : i32
      %add3A_46 = arith.addi %mul3A_44, %add3A_45 : i32
      %mul3A_47 = arith.constant 16 : i32
      %mul3A_48 = arith.muli %add3A_46, %mul3A_47 : i32
      %swap3A_49 = arith.index_cast %mul3A_48 : i32 to index
      %swap3A_50 = tpu.vector_load %arg9[%swap3A_49] {strides = array<i32>} : memref<40448xf32, #tpu.memory_space<vmem>>, vector<16xf32>,
      tpu.vector_store %arg9[%swap3A_49], %broadcast_in_dim3A_42 {strides = array<i32>} : memref<40448xf32, #tpu.memory_space<vmem>>, vector<16xf32>,
      %broadcast_in_dim3A_51 = arith.constant 0.000000e+00 : f32
      %broadcast_in_dim3A_52 = vector.broadcast %broadcast_in_dim3A_51 : f32 to vector<16xf32>
      %mul3A_53 = arith.constant 8 : i32
      %mul3A_54 = arith.muli %scan3A_12, %mul3A_53 : i32
      %add3A_55 = arith.constant 4 : i32
      %add3A_56 = arith.addi %mul3A_54, %add3A_55 : i32
      %mul3A_57 = arith.constant 16 : i32
      %mul3A_58 = arith.muli %add3A_56, %mul3A_57 : i32
      %swap3A_59 = arith.index_cast %mul3A_58 : i32 to index
      %swap3A_60 = tpu.vector_load %arg9[%swap3A_59] {strides = array<i32>} : memref<40448xf32, #tpu.memory_space<vmem>>, vector<16xf32>,
      tpu.vector_store %arg9[%swap3A_59], %broadcast_in_dim3A_52 {strides = array<i32>} : memref<40448xf32, #tpu.memory_space<vmem>>, vector<16xf32>,
      %broadcast_in_dim3A_61 = arith.constant 0.000000e+00 : f32
      %broadcast_in_dim3A_62 = vector.broadcast %broadcast_in_dim3A_61 : f32 to vector<16xf32>
      %mul3A_63 = arith.constant 8 : i32
      %mul3A_64 = arith.muli %scan3A_12, %mul3A_63 : i32
      %add3A_65 = arith.constant 5 : i32
      %add3A_66 = arith.addi %mul3A_64, %add3A_65 : i32
      %mul3A_67 = arith.constant 16 : i32
      %mul3A_68 = arith.muli %add3A_66, %mul3A_67 : i32
      %swap3A_69 = arith.index_cast %mul3A_68 : i32 to index
      %swap3A_70 = tpu.vector_load %arg9[%swap3A_69] {strides = array<i32>} : memref<40448xf32, #tpu.memory_space<vmem>>, vector<16xf32>,
      tpu.vector_store %arg9[%swap3A_69], %broadcast_in_dim3A_62 {strides = array<i32>} : memref<40448xf32, #tpu.memory_space<vmem>>, vector<16xf32>,
      %broadcast_in_dim3A_71 = arith.constant 0.000000e+00 : f32
      %broadcast_in_dim3A_72 = vector.broadcast %broadcast_in_dim3A_71 : f32 to vector<16xf32>
      %mul3A_73 = arith.constant 8 : i32
      %mul3A_74 = arith.muli %scan3A_12, %mul3A_73 : i32
      %add3A_75 = arith.constant 6 : i32
      %add3A_76 = arith.addi %mul3A_74, %add3A_75 : i32
      %mul3A_77 = arith.constant 16 : i32
      %mul3A_78 = arith.muli %add3A_76, %mul3A_77 : i32
      %swap3A_79 = arith.index_cast %mul3A_78 : i32 to index
      %swap3A_80 = tpu.vector_load %arg9[%swap3A_79] {strides = array<i32>} : memref<40448xf32, #tpu.memory_space<vmem>>, vector<16xf32>,
      tpu.vector_store %arg9[%swap3A_79], %broadcast_in_dim3A_72 {strides = array<i32>} : memref<40448xf32, #tpu.memory_space<vmem>>, vector<16xf32>,
      %broadcast_in_dim3A_81 = arith.constant 0.000000e+00 : f32
      %broadcast_in_dim3A_82 = vector.broadcast %broadcast_in_dim3A_81 : f32 to vector<16xf32>
      %mul3A_83 = arith.constant 8 : i32
      %mul3A_84 = arith.muli %scan3A_12, %mul3A_83 : i32
      %add3A_85 = arith.constant 7 : i32
      %add3A_86 = arith.addi %mul3A_84, %add3A_85 : i32
      %mul3A_87 = arith.constant 16 : i32
      %mul3A_88 = arith.muli %add3A_86, %mul3A_87 : i32
      %swap3A_89 = arith.index_cast %mul3A_88 : i32 to index
      %swap3A_90 = tpu.vector_load %arg9[%swap3A_89] {strides = array<i32>} : memref<40448xf32, #tpu.memory_space<vmem>>, vector<16xf32>,
      tpu.vector_store %arg9[%swap3A_89], %broadcast_in_dim3A_82 {strides = array<i32>} : memref<40448xf32, #tpu.memory_space<vmem>>, vector<16xf32>,
    }
    %scan3A_5 = arith.constant 316 : i32
    "tpu.region"() ({
      %run_scoped3A = tpu.sem_alloc : memref<!tpu.dma_semaphore, #tpu.memory_space<semaphore_mem>>
      %dma_start3A = arith.constant 0 : i32
      %dma_start3A_12 = arith.constant 0 : i32
      %dma_start3A_13 = tpu.memref_slice %arg3[%add3A, %dma_start3A, %dma_start3A_12] : memref<32x79x128xi32, #tpu.memory_space<hbm>> -> memref<1x79x128xi32, #tpu.memory_space<hbm>>
      %dma_start3A_14 = tpu.memref_squeeze %dma_start3A_13 : memref<1x79x128xi32, #tpu.memory_space<hbm>> -> memref<79x128xi32, #tpu.memory_space<hbm>>
      %dma_start3A_15 = arith.constant 0 : i32
      %dma_start3A_16 = arith.constant 0 : i32
      %dma_start3A_17 = tpu.memref_slice %arg3[%add3A, %dma_start3A_15, %dma_start3A_16] : memref<32x79x128xi32, #tpu.memory_space<hbm>> -> memref<1x79x128xi32, #tpu.memory_space<hbm>>
      %dma_start3A_18 = tpu.memref_squeeze %dma_start3A_17 : memref<1x79x128xi32, #tpu.memory_space<hbm>> -> memref<79x128xi32, #tpu.memory_space<hbm>>
      tpu.enqueue_dma source(%dma_start3A_18 : memref<79x128xi32, #tpu.memory_space<hbm>>) target(%arg6 : memref<79x128xi32, #tpu.memory_space<vmem>>) target_semaphore(%run_scoped3A : memref<!tpu.dma_semaphore, #tpu.memory_space<semaphore_mem>>)
      %dma_wait3A = arith.constant 0 : i32
      %dma_wait3A_19 = arith.constant 0 : i32
      %dma_wait3A_20 = tpu.memref_slice %arg3[%add3A, %dma_wait3A, %dma_wait3A_19] : memref<32x79x128xi32, #tpu.memory_space<hbm>> -> memref<1x79x128xi32, #tpu.memory_space<hbm>>
      %dma_wait3A_21 = tpu.memref_squeeze %dma_wait3A_20 : memref<1x79x128xi32, #tpu.memory_space<hbm>> -> memref<79x128xi32, #tpu.memory_space<hbm>>
      %dma_wait3A_22 = arith.constant 0 : i32
      %dma_wait3A_23 = arith.constant 0 : i32
      %dma_wait3A_24 = tpu.memref_slice %arg3[%add3A, %dma_wait3A_22, %dma_wait3A_23] : memref<32x79x128xi32, #tpu.memory_space<hbm>> -> memref<1x79x128xi32, #tpu.memory_space<hbm>>
      %dma_wait3A_25 = tpu.memref_squeeze %dma_wait3A_24 : memref<1x79x128xi32, #tpu.memory_space<hbm>> -> memref<79x128xi32, #tpu.memory_space<hbm>>
      tpu.wait_dma2 semaphore(%run_scoped3A : memref<!tpu.dma_semaphore, #tpu.memory_space<semaphore_mem>>) src(%dma_wait3A_25 : memref<79x128xi32, #tpu.memory_space<hbm>>) dst(%arg6 : memref<79x128xi32, #tpu.memory_space<vmem>>)
      tpu.yield
    }) : () -> ()
    "tpu.region"() ({
      %run_scoped3A = tpu.sem_alloc : memref<!tpu.dma_semaphore, #tpu.memory_space<semaphore_mem>>
      %dma_start3A = arith.constant 0 : i32
      %dma_start3A_12 = arith.constant 0 : i32
      %dma_start3A_13 = tpu.memref_slice %arg4[%add3A, %dma_start3A, %dma_start3A_12] : memref<32x79x128xi32, #tpu.memory_space<hbm>> -> memref<1x79x128xi32, #tpu.memory_space<hbm>>
      %dma_start3A_14 = tpu.memref_squeeze %dma_start3A_13 : memref<1x79x128xi32, #tpu.memory_space<hbm>> -> memref<79x128xi32, #tpu.memory_space<hbm>>
      %dma_start3A_15 = arith.constant 0 : i32
      %dma_start3A_16 = arith.constant 0 : i32
      %dma_start3A_17 = tpu.memref_slice %arg4[%add3A, %dma_start3A_15, %dma_start3A_16] : memref<32x79x128xi32, #tpu.memory_space<hbm>> -> memref<1x79x128xi32, #tpu.memory_space<hbm>>
      %dma_start3A_18 = tpu.memref_squeeze %dma_start3A_17 : memref<1x79x128xi32, #tpu.memory_space<hbm>> -> memref<79x128xi32, #tpu.memory_space<hbm>>
      tpu.enqueue_dma source(%dma_start3A_18 : memref<79x128xi32, #tpu.memory_space<hbm>>) target(%arg7 : memref<79x128xi32, #tpu.memory_space<vmem>>) target_semaphore(%run_scoped3A : memref<!tpu.dma_semaphore, #tpu.memory_space<semaphore_mem>>)
      %dma_wait3A = arith.constant 0 : i32
      %dma_wait3A_19 = arith.constant 0 : i32
      %dma_wait3A_20 = tpu.memref_slice %arg4[%add3A, %dma_wait3A, %dma_wait3A_19] : memref<32x79x128xi32, #tpu.memory_space<hbm>> -> memref<1x79x128xi32, #tpu.memory_space<hbm>>
      %dma_wait3A_21 = tpu.memref_squeeze %dma_wait3A_20 : memref<1x79x128xi32, #tpu.memory_space<hbm>> -> memref<79x128xi32, #tpu.memory_space<hbm>>
      %dma_wait3A_22 = arith.constant 0 : i32
      %dma_wait3A_23 = arith.constant 0 : i32
      %dma_wait3A_24 = tpu.memref_slice %arg4[%add3A, %dma_wait3A_22, %dma_wait3A_23] : memref<32x79x128xi32, #tpu.memory_space<hbm>> -> memref<1x79x128xi32, #tpu.memory_space<hbm>>
      %dma_wait3A_25 = tpu.memref_squeeze %dma_wait3A_24 : memref<1x79x128xi32, #tpu.memory_space<hbm>> -> memref<79x128xi32, #tpu.memory_space<hbm>>
      tpu.wait_dma2 semaphore(%run_scoped3A : memref<!tpu.dma_semaphore, #tpu.memory_space<semaphore_mem>>) src(%dma_wait3A_25 : memref<79x128xi32, #tpu.memory_space<hbm>>) dst(%arg7 : memref<79x128xi32, #tpu.memory_space<vmem>>)
      tpu.yield
    }) : () -> ()
    "tpu.region"() ({
      %run_scoped3A = tpu.sem_alloc : memref<!tpu.dma_semaphore, #tpu.memory_space<semaphore_mem>>
      tpu.enqueue_dma source(%arg2 : memref<40000xf32, #tpu.memory_space<hbm>>) target(%arg8 : memref<40000xf32, #tpu.memory_space<vmem>>) target_semaphore(%run_scoped3A : memref<!tpu.dma_semaphore, #tpu.memory_space<semaphore_mem>>)
      tpu.wait_dma2 semaphore(%run_scoped3A : memref<!tpu.dma_semaphore, #tpu.memory_space<semaphore_mem>>) src(%arg2 : memref<40000xf32, #tpu.memory_space<hbm>>) dst(%arg8 : memref<40000xf32, #tpu.memory_space<vmem>>)
      tpu.yield
    }) : () -> ()
    %scan3A_6 = arith.constant 0 : i32
    %scan3A_7 = arith.constant 0 : i32
    %scan3A_8 = arith.constant 79 : i32
    %scan3A_9 = arith.addi %scan3A_7, %scan3A_8 : i32
    %scan3A_10 = arith.constant 1 : i32
    scf.for %scan3A_12 = %scan3A_7 to %scan3A_9 step %scan3A_10  : i32 {
      %get3A = arith.index_cast %scan3A_12 : i32 to index
      %get3A_13 = arith.constant 0 : index
      %get3A_14 = tpu.vector_load %arg6[%get3A, %get3A_13] {strides = array<i32>} : memref<79x128xi32, #tpu.memory_space<vmem>>, vector<16xi32>,
      %get3A_15 = arith.index_cast %scan3A_12 : i32 to index
      %get3A_16 = arith.constant 0 : index
      %get3A_17 = tpu.vector_load %arg7[%get3A_15, %get3A_16] {strides = array<i32>} : memref<79x128xi32, #tpu.memory_space<vmem>>, vector<16xi32>,
      %add3A_18 = arith.constant 0 : i32
      %add3A_19 = vector.broadcast %add3A_18 : i32 to vector<16xi32>
      %add3A_20 = arith.addi %get3A_14, %add3A_19 : vector<16xi32>
      %gather3A = tpu.vector_load_idx %arg8[%add3A_20] : memref<40000xf32, #tpu.memory_space<vmem>>[vector<16xi32>], vector<16xf32>,
      %add3A_21 = arith.constant 0 : i32
      %add3A_22 = vector.broadcast %add3A_21 : i32 to vector<16xi32>
      %add3A_23 = arith.addi %get3A_17, %add3A_22 : vector<16xi32>
      tpu.vector_store_idx %arg9[%add3A_23], %gather3A {add = true} : memref<40448xf32, #tpu.memory_space<vmem>>[vector<16xi32>], vector<16xf32>,
      %add3A_24 = arith.constant 1 : i32
      %add3A_25 = vector.broadcast %add3A_24 : i32 to vector<16xi32>
      %add3A_26 = arith.addi %get3A_14, %add3A_25 : vector<16xi32>
      %gather3A_27 = tpu.vector_load_idx %arg8[%add3A_26] : memref<40000xf32, #tpu.memory_space<vmem>>[vector<16xi32>], vector<16xf32>,
      %add3A_28 = arith.constant 10112 : i32
      %add3A_29 = vector.broadcast %add3A_28 : i32 to vector<16xi32>
      %add3A_30 = arith.addi %get3A_17, %add3A_29 : vector<16xi32>
      tpu.vector_store_idx %arg9[%add3A_30], %gather3A_27 {add = true} : memref<40448xf32, #tpu.memory_space<vmem>>[vector<16xi32>], vector<16xf32>,
      %add3A_31 = arith.constant 2 : i32
      %add3A_32 = vector.broadcast %add3A_31 : i32 to vector<16xi32>
      %add3A_33 = arith.addi %get3A_14, %add3A_32 : vector<16xi32>
      %gather3A_34 = tpu.vector_load_idx %arg8[%add3A_33] : memref<40000xf32, #tpu.memory_space<vmem>>[vector<16xi32>], vector<16xf32>,
      %add3A_35 = arith.constant 20224 : i32
      %add3A_36 = vector.broadcast %add3A_35 : i32 to vector<16xi32>
      %add3A_37 = arith.addi %get3A_17, %add3A_36 : vector<16xi32>
      tpu.vector_store_idx %arg9[%add3A_37], %gather3A_34 {add = true} : memref<40448xf32, #tpu.memory_space<vmem>>[vector<16xi32>], vector<16xf32>,
      %add3A_38 = arith.constant 3 : i32
      %add3A_39 = vector.broadcast %add3A_38 : i32 to vector<16xi32>
      %add3A_40 = arith.addi %get3A_14, %add3A_39 : vector<16xi32>
      %gather3A_41 = tpu.vector_load_idx %arg8[%add3A_40] : memref<40000xf32, #tpu.memory_space<vmem>>[vector<16xi32>], vector<16xf32>,
      %add3A_42 = arith.constant 30336 : i32
      %add3A_43 = vector.broadcast %add3A_42 : i32 to vector<16xi32>
      %add3A_44 = arith.addi %get3A_17, %add3A_43 : vector<16xi32>
      tpu.vector_store_idx %arg9[%add3A_44], %gather3A_41 {add = true} : memref<40448xf32, #tpu.memory_space<vmem>>[vector<16xi32>], vector<16xf32>,
      %get3A_45 = arith.index_cast %scan3A_12 : i32 to index
      %get3A_46 = arith.constant 16 : index
      %get3A_47 = tpu.vector_load %arg6[%get3A_45, %get3A_46] {strides = array<i32>} : memref<79x128xi32, #tpu.memory_space<vmem>>, vector<16xi32>,
      %get3A_48 = arith.index_cast %scan3A_12 : i32 to index
      %get3A_49 = arith.constant 16 : index
      %get3A_50 = tpu.vector_load %arg7[%get3A_48, %get3A_49] {strides = array<i32>} : memref<79x128xi32, #tpu.memory_space<vmem>>, vector<16xi32>,
      %add3A_51 = arith.constant 0 : i32
      %add3A_52 = vector.broadcast %add3A_51 : i32 to vector<16xi32>
      %add3A_53 = arith.addi %get3A_47, %add3A_52 : vector<16xi32>
      %gather3A_54 = tpu.vector_load_idx %arg8[%add3A_53] : memref<40000xf32, #tpu.memory_space<vmem>>[vector<16xi32>], vector<16xf32>,
      %add3A_55 = arith.constant 0 : i32
      %add3A_56 = vector.broadcast %add3A_55 : i32 to vector<16xi32>
      %add3A_57 = arith.addi %get3A_50, %add3A_56 : vector<16xi32>
      tpu.vector_store_idx %arg9[%add3A_57], %gather3A_54 {add = true} : memref<40448xf32, #tpu.memory_space<vmem>>[vector<16xi32>], vector<16xf32>,
      %add3A_58 = arith.constant 1 : i32
      %add3A_59 = vector.broadcast %add3A_58 : i32 to vector<16xi32>
      %add3A_60 = arith.addi %get3A_47, %add3A_59 : vector<16xi32>
      %gather3A_61 = tpu.vector_load_idx %arg8[%add3A_60] : memref<40000xf32, #tpu.memory_space<vmem>>[vector<16xi32>], vector<16xf32>,
      %add3A_62 = arith.constant 10112 : i32
      %add3A_63 = vector.broadcast %add3A_62 : i32 to vector<16xi32>
      %add3A_64 = arith.addi %get3A_50, %add3A_63 : vector<16xi32>
      tpu.vector_store_idx %arg9[%add3A_64], %gather3A_61 {add = true} : memref<40448xf32, #tpu.memory_space<vmem>>[vector<16xi32>], vector<16xf32>,
      %add3A_65 = arith.constant 2 : i32
      %add3A_66 = vector.broadcast %add3A_65 : i32 to vector<16xi32>
      %add3A_67 = arith.addi %get3A_47, %add3A_66 : vector<16xi32>
      %gather3A_68 = tpu.vector_load_idx %arg8[%add3A_67] : memref<40000xf32, #tpu.memory_space<vmem>>[vector<16xi32>], vector<16xf32>,
      %add3A_69 = arith.constant 20224 : i32
      %add3A_70 = vector.broadcast %add3A_69 : i32 to vector<16xi32>
      %add3A_71 = arith.addi %get3A_50, %add3A_70 : vector<16xi32>
      tpu.vector_store_idx %arg9[%add3A_71], %gather3A_68 {add = true} : memref<40448xf32, #tpu.memory_space<vmem>>[vector<16xi32>], vector<16xf32>,
      %add3A_72 = arith.constant 3 : i32
      %add3A_73 = vector.broadcast %add3A_72 : i32 to vector<16xi32>
      %add3A_74 = arith.addi %get3A_47, %add3A_73 : vector<16xi32>
      %gather3A_75 = tpu.vector_load_idx %arg8[%add3A_74] : memref<40000xf32, #tpu.memory_space<vmem>>[vector<16xi32>], vector<16xf32>,
      %add3A_76 = arith.constant 30336 : i32
      %add3A_77 = vector.broadcast %add3A_76 : i32 to vector<16xi32>
      %add3A_78 = arith.addi %get3A_50, %add3A_77 : vector<16xi32>
      tpu.vector_store_idx %arg9[%add3A_78], %gather3A_75 {add = true} : memref<40448xf32, #tpu.memory_space<vmem>>[vector<16xi32>], vector<16xf32>,
      %get3A_79 = arith.index_cast %scan3A_12 : i32 to index
      %get3A_80 = arith.constant 32 : index
      %get3A_81 = tpu.vector_load %arg6[%get3A_79, %get3A_80] {strides = array<i32>} : memref<79x128xi32, #tpu.memory_space<vmem>>, vector<16xi32>,
      %get3A_82 = arith.index_cast %scan3A_12 : i32 to index
      %get3A_83 = arith.constant 32 : index
      %get3A_84 = tpu.vector_load %arg7[%get3A_82, %get3A_83] {strides = array<i32>} : memref<79x128xi32, #tpu.memory_space<vmem>>, vector<16xi32>,
      %add3A_85 = arith.constant 0 : i32
      %add3A_86 = vector.broadcast %add3A_85 : i32 to vector<16xi32>
      %add3A_87 = arith.addi %get3A_81, %add3A_86 : vector<16xi32>
      %gather3A_88 = tpu.vector_load_idx %arg8[%add3A_87] : memref<40000xf32, #tpu.memory_space<vmem>>[vector<16xi32>], vector<16xf32>,
      %add3A_89 = arith.constant 0 : i32
      %add3A_90 = vector.broadcast %add3A_89 : i32 to vector<16xi32>
      %add3A_91 = arith.addi %get3A_84, %add3A_90 : vector<16xi32>
      tpu.vector_store_idx %arg9[%add3A_91], %gather3A_88 {add = true} : memref<40448xf32, #tpu.memory_space<vmem>>[vector<16xi32>], vector<16xf32>,
      %add3A_92 = arith.constant 1 : i32
      %add3A_93 = vector.broadcast %add3A_92 : i32 to vector<16xi32>
      %add3A_94 = arith.addi %get3A_81, %add3A_93 : vector<16xi32>
      %gather3A_95 = tpu.vector_load_idx %arg8[%add3A_94] : memref<40000xf32, #tpu.memory_space<vmem>>[vector<16xi32>], vector<16xf32>,
      %add3A_96 = arith.constant 10112 : i32
      %add3A_97 = vector.broadcast %add3A_96 : i32 to vector<16xi32>
      %add3A_98 = arith.addi %get3A_84, %add3A_97 : vector<16xi32>
      tpu.vector_store_idx %arg9[%add3A_98], %gather3A_95 {add = true} : memref<40448xf32, #tpu.memory_space<vmem>>[vector<16xi32>], vector<16xf32>,
      %add3A_99 = arith.constant 2 : i32
      %add3A_100 = vector.broadcast %add3A_99 : i32 to vector<16xi32>
      %add3A_101 = arith.addi %get3A_81, %add3A_100 : vector<16xi32>
      %gather3A_102 = tpu.vector_load_idx %arg8[%add3A_101] : memref<40000xf32, #tpu.memory_space<vmem>>[vector<16xi32>], vector<16xf32>,
      %add3A_103 = arith.constant 20224 : i32
      %add3A_104 = vector.broadcast %add3A_103 : i32 to vector<16xi32>
      %add3A_105 = arith.addi %get3A_84, %add3A_104 : vector<16xi32>
      tpu.vector_store_idx %arg9[%add3A_105], %gather3A_102 {add = true} : memref<40448xf32, #tpu.memory_space<vmem>>[vector<16xi32>], vector<16xf32>,
      %add3A_106 = arith.constant 3 : i32
      %add3A_107 = vector.broadcast %add3A_106 : i32 to vector<16xi32>
      %add3A_108 = arith.addi %get3A_81, %add3A_107 : vector<16xi32>
      %gather3A_109 = tpu.vector_load_idx %arg8[%add3A_108] : memref<40000xf32, #tpu.memory_space<vmem>>[vector<16xi32>], vector<16xf32>,
      %add3A_110 = arith.constant 30336 : i32
      %add3A_111 = vector.broadcast %add3A_110 : i32 to vector<16xi32>
      %add3A_112 = arith.addi %get3A_84, %add3A_111 : vector<16xi32>
      tpu.vector_store_idx %arg9[%add3A_112], %gather3A_109 {add = true} : memref<40448xf32, #tpu.memory_space<vmem>>[vector<16xi32>], vector<16xf32>,
      %get3A_113 = arith.index_cast %scan3A_12 : i32 to index
      %get3A_114 = arith.constant 48 : index
      %get3A_115 = tpu.vector_load %arg6[%get3A_113, %get3A_114] {strides = array<i32>} : memref<79x128xi32, #tpu.memory_space<vmem>>, vector<16xi32>,
      %get3A_116 = arith.index_cast %scan3A_12 : i32 to index
      %get3A_117 = arith.constant 48 : index
      %get3A_118 = tpu.vector_load %arg7[%get3A_116, %get3A_117] {strides = array<i32>} : memref<79x128xi32, #tpu.memory_space<vmem>>, vector<16xi32>,
      %add3A_119 = arith.constant 0 : i32
      %add3A_120 = vector.broadcast %add3A_119 : i32 to vector<16xi32>
      %add3A_121 = arith.addi %get3A_115, %add3A_120 : vector<16xi32>
      %gather3A_122 = tpu.vector_load_idx %arg8[%add3A_121] : memref<40000xf32, #tpu.memory_space<vmem>>[vector<16xi32>], vector<16xf32>,
      %add3A_123 = arith.constant 0 : i32
      %add3A_124 = vector.broadcast %add3A_123 : i32 to vector<16xi32>
      %add3A_125 = arith.addi %get3A_118, %add3A_124 : vector<16xi32>
      tpu.vector_store_idx %arg9[%add3A_125], %gather3A_122 {add = true} : memref<40448xf32, #tpu.memory_space<vmem>>[vector<16xi32>], vector<16xf32>,
      %add3A_126 = arith.constant 1 : i32
      %add3A_127 = vector.broadcast %add3A_126 : i32 to vector<16xi32>
      %add3A_128 = arith.addi %get3A_115, %add3A_127 : vector<16xi32>
      %gather3A_129 = tpu.vector_load_idx %arg8[%add3A_128] : memref<40000xf32, #tpu.memory_space<vmem>>[vector<16xi32>], vector<16xf32>,
      %add3A_130 = arith.constant 10112 : i32
      %add3A_131 = vector.broadcast %add3A_130 : i32 to vector<16xi32>
      %add3A_132 = arith.addi %get3A_118, %add3A_131 : vector<16xi32>
      tpu.vector_store_idx %arg9[%add3A_132], %gather3A_129 {add = true} : memref<40448xf32, #tpu.memory_space<vmem>>[vector<16xi32>], vector<16xf32>,
      %add3A_133 = arith.constant 2 : i32
      %add3A_134 = vector.broadcast %add3A_133 : i32 to vector<16xi32>
      %add3A_135 = arith.addi %get3A_115, %add3A_134 : vector<16xi32>
      %gather3A_136 = tpu.vector_load_idx %arg8[%add3A_135] : memref<40000xf32, #tpu.memory_space<vmem>>[vector<16xi32>], vector<16xf32>,
      %add3A_137 = arith.constant 20224 : i32
      %add3A_138 = vector.broadcast %add3A_137 : i32 to vector<16xi32>
      %add3A_139 = arith.addi %get3A_118, %add3A_138 : vector<16xi32>
      tpu.vector_store_idx %arg9[%add3A_139], %gather3A_136 {add = true} : memref<40448xf32, #tpu.memory_space<vmem>>[vector<16xi32>], vector<16xf32>,
      %add3A_140 = arith.constant 3 : i32
      %add3A_141 = vector.broadcast %add3A_140 : i32 to vector<16xi32>
      %add3A_142 = arith.addi %get3A_115, %add3A_141 : vector<16xi32>
      %gather3A_143 = tpu.vector_load_idx %arg8[%add3A_142] : memref<40000xf32, #tpu.memory_space<vmem>>[vector<16xi32>], vector<16xf32>,
      %add3A_144 = arith.constant 30336 : i32
      %add3A_145 = vector.broadcast %add3A_144 : i32 to vector<16xi32>
      %add3A_146 = arith.addi %get3A_118, %add3A_145 : vector<16xi32>
      tpu.vector_store_idx %arg9[%add3A_146], %gather3A_143 {add = true} : memref<40448xf32, #tpu.memory_space<vmem>>[vector<16xi32>], vector<16xf32>,
      %get3A_147 = arith.index_cast %scan3A_12 : i32 to index
      %get3A_148 = arith.constant 64 : index
      %get3A_149 = tpu.vector_load %arg6[%get3A_147, %get3A_148] {strides = array<i32>} : memref<79x128xi32, #tpu.memory_space<vmem>>, vector<16xi32>,
      %get3A_150 = arith.index_cast %scan3A_12 : i32 to index
      %get3A_151 = arith.constant 64 : index
      %get3A_152 = tpu.vector_load %arg7[%get3A_150, %get3A_151] {strides = array<i32>} : memref<79x128xi32, #tpu.memory_space<vmem>>, vector<16xi32>,
      %add3A_153 = arith.constant 0 : i32
      %add3A_154 = vector.broadcast %add3A_153 : i32 to vector<16xi32>
      %add3A_155 = arith.addi %get3A_149, %add3A_154 : vector<16xi32>
      %gather3A_156 = tpu.vector_load_idx %arg8[%add3A_155] : memref<40000xf32, #tpu.memory_space<vmem>>[vector<16xi32>], vector<16xf32>,
      %add3A_157 = arith.constant 0 : i32
      %add3A_158 = vector.broadcast %add3A_157 : i32 to vector<16xi32>
      %add3A_159 = arith.addi %get3A_152, %add3A_158 : vector<16xi32>
      tpu.vector_store_idx %arg9[%add3A_159], %gather3A_156 {add = true} : memref<40448xf32, #tpu.memory_space<vmem>>[vector<16xi32>], vector<16xf32>,
      %add3A_160 = arith.constant 1 : i32
      %add3A_161 = vector.broadcast %add3A_160 : i32 to vector<16xi32>
      %add3A_162 = arith.addi %get3A_149, %add3A_161 : vector<16xi32>
      %gather3A_163 = tpu.vector_load_idx %arg8[%add3A_162] : memref<40000xf32, #tpu.memory_space<vmem>>[vector<16xi32>], vector<16xf32>,
      %add3A_164 = arith.constant 10112 : i32
      %add3A_165 = vector.broadcast %add3A_164 : i32 to vector<16xi32>
      %add3A_166 = arith.addi %get3A_152, %add3A_165 : vector<16xi32>
      tpu.vector_store_idx %arg9[%add3A_166], %gather3A_163 {add = true} : memref<40448xf32, #tpu.memory_space<vmem>>[vector<16xi32>], vector<16xf32>,
      %add3A_167 = arith.constant 2 : i32
      %add3A_168 = vector.broadcast %add3A_167 : i32 to vector<16xi32>
      %add3A_169 = arith.addi %get3A_149, %add3A_168 : vector<16xi32>
      %gather3A_170 = tpu.vector_load_idx %arg8[%add3A_169] : memref<40000xf32, #tpu.memory_space<vmem>>[vector<16xi32>], vector<16xf32>,
      %add3A_171 = arith.constant 20224 : i32
      %add3A_172 = vector.broadcast %add3A_171 : i32 to vector<16xi32>
      %add3A_173 = arith.addi %get3A_152, %add3A_172 : vector<16xi32>
      tpu.vector_store_idx %arg9[%add3A_173], %gather3A_170 {add = true} : memref<40448xf32, #tpu.memory_space<vmem>>[vector<16xi32>], vector<16xf32>,
      %add3A_174 = arith.constant 3 : i32
      %add3A_175 = vector.broadcast %add3A_174 : i32 to vector<16xi32>
      %add3A_176 = arith.addi %get3A_149, %add3A_175 : vector<16xi32>
      %gather3A_177 = tpu.vector_load_idx %arg8[%add3A_176] : memref<40000xf32, #tpu.memory_space<vmem>>[vector<16xi32>], vector<16xf32>,
      %add3A_178 = arith.constant 30336 : i32
      %add3A_179 = vector.broadcast %add3A_178 : i32 to vector<16xi32>
      %add3A_180 = arith.addi %get3A_152, %add3A_179 : vector<16xi32>
      tpu.vector_store_idx %arg9[%add3A_180], %gather3A_177 {add = true} : memref<40448xf32, #tpu.memory_space<vmem>>[vector<16xi32>], vector<16xf32>,
      %get3A_181 = arith.index_cast %scan3A_12 : i32 to index
      %get3A_182 = arith.constant 80 : index
      %get3A_183 = tpu.vector_load %arg6[%get3A_181, %get3A_182] {strides = array<i32>} : memref<79x128xi32, #tpu.memory_space<vmem>>, vector<16xi32>,
      %get3A_184 = arith.index_cast %scan3A_12 : i32 to index
      %get3A_185 = arith.constant 80 : index
      %get3A_186 = tpu.vector_load %arg7[%get3A_184, %get3A_185] {strides = array<i32>} : memref<79x128xi32, #tpu.memory_space<vmem>>, vector<16xi32>,
      %add3A_187 = arith.constant 0 : i32
      %add3A_188 = vector.broadcast %add3A_187 : i32 to vector<16xi32>
      %add3A_189 = arith.addi %get3A_183, %add3A_188 : vector<16xi32>
      %gather3A_190 = tpu.vector_load_idx %arg8[%add3A_189] : memref<40000xf32, #tpu.memory_space<vmem>>[vector<16xi32>], vector<16xf32>,
      %add3A_191 = arith.constant 0 : i32
      %add3A_192 = vector.broadcast %add3A_191 : i32 to vector<16xi32>
      %add3A_193 = arith.addi %get3A_186, %add3A_192 : vector<16xi32>
      tpu.vector_store_idx %arg9[%add3A_193], %gather3A_190 {add = true} : memref<40448xf32, #tpu.memory_space<vmem>>[vector<16xi32>], vector<16xf32>,
      %add3A_194 = arith.constant 1 : i32
      %add3A_195 = vector.broadcast %add3A_194 : i32 to vector<16xi32>
      %add3A_196 = arith.addi %get3A_183, %add3A_195 : vector<16xi32>
      %gather3A_197 = tpu.vector_load_idx %arg8[%add3A_196] : memref<40000xf32, #tpu.memory_space<vmem>>[vector<16xi32>], vector<16xf32>,
      %add3A_198 = arith.constant 10112 : i32
      %add3A_199 = vector.broadcast %add3A_198 : i32 to vector<16xi32>
      %add3A_200 = arith.addi %get3A_186, %add3A_199 : vector<16xi32>
      tpu.vector_store_idx %arg9[%add3A_200], %gather3A_197 {add = true} : memref<40448xf32, #tpu.memory_space<vmem>>[vector<16xi32>], vector<16xf32>,
      %add3A_201 = arith.constant 2 : i32
      %add3A_202 = vector.broadcast %add3A_201 : i32 to vector<16xi32>
      %add3A_203 = arith.addi %get3A_183, %add3A_202 : vector<16xi32>
      %gather3A_204 = tpu.vector_load_idx %arg8[%add3A_203] : memref<40000xf32, #tpu.memory_space<vmem>>[vector<16xi32>], vector<16xf32>,
      %add3A_205 = arith.constant 20224 : i32
      %add3A_206 = vector.broadcast %add3A_205 : i32 to vector<16xi32>
      %add3A_207 = arith.addi %get3A_186, %add3A_206 : vector<16xi32>
      tpu.vector_store_idx %arg9[%add3A_207], %gather3A_204 {add = true} : memref<40448xf32, #tpu.memory_space<vmem>>[vector<16xi32>], vector<16xf32>,
      %add3A_208 = arith.constant 3 : i32
      %add3A_209 = vector.broadcast %add3A_208 : i32 to vector<16xi32>
      %add3A_210 = arith.addi %get3A_183, %add3A_209 : vector<16xi32>
      %gather3A_211 = tpu.vector_load_idx %arg8[%add3A_210] : memref<40000xf32, #tpu.memory_space<vmem>>[vector<16xi32>], vector<16xf32>,
      %add3A_212 = arith.constant 30336 : i32
      %add3A_213 = vector.broadcast %add3A_212 : i32 to vector<16xi32>
      %add3A_214 = arith.addi %get3A_186, %add3A_213 : vector<16xi32>
      tpu.vector_store_idx %arg9[%add3A_214], %gather3A_211 {add = true} : memref<40448xf32, #tpu.memory_space<vmem>>[vector<16xi32>], vector<16xf32>,
      %get3A_215 = arith.index_cast %scan3A_12 : i32 to index
      %get3A_216 = arith.constant 96 : index
      %get3A_217 = tpu.vector_load %arg6[%get3A_215, %get3A_216] {strides = array<i32>} : memref<79x128xi32, #tpu.memory_space<vmem>>, vector<16xi32>,
      %get3A_218 = arith.index_cast %scan3A_12 : i32 to index
      %get3A_219 = arith.constant 96 : index
      %get3A_220 = tpu.vector_load %arg7[%get3A_218, %get3A_219] {strides = array<i32>} : memref<79x128xi32, #tpu.memory_space<vmem>>, vector<16xi32>,
      %add3A_221 = arith.constant 0 : i32
      %add3A_222 = vector.broadcast %add3A_221 : i32 to vector<16xi32>
      %add3A_223 = arith.addi %get3A_217, %add3A_222 : vector<16xi32>
      %gather3A_224 = tpu.vector_load_idx %arg8[%add3A_223] : memref<40000xf32, #tpu.memory_space<vmem>>[vector<16xi32>], vector<16xf32>,
      %add3A_225 = arith.constant 0 : i32
      %add3A_226 = vector.broadcast %add3A_225 : i32 to vector<16xi32>
      %add3A_227 = arith.addi %get3A_220, %add3A_226 : vector<16xi32>
      tpu.vector_store_idx %arg9[%add3A_227], %gather3A_224 {add = true} : memref<40448xf32, #tpu.memory_space<vmem>>[vector<16xi32>], vector<16xf32>,
      %add3A_228 = arith.constant 1 : i32
      %add3A_229 = vector.broadcast %add3A_228 : i32 to vector<16xi32>
      %add3A_230 = arith.addi %get3A_217, %add3A_229 : vector<16xi32>
      %gather3A_231 = tpu.vector_load_idx %arg8[%add3A_230] : memref<40000xf32, #tpu.memory_space<vmem>>[vector<16xi32>], vector<16xf32>,
      %add3A_232 = arith.constant 10112 : i32
      %add3A_233 = vector.broadcast %add3A_232 : i32 to vector<16xi32>
      %add3A_234 = arith.addi %get3A_220, %add3A_233 : vector<16xi32>
      tpu.vector_store_idx %arg9[%add3A_234], %gather3A_231 {add = true} : memref<40448xf32, #tpu.memory_space<vmem>>[vector<16xi32>], vector<16xf32>,
      %add3A_235 = arith.constant 2 : i32
      %add3A_236 = vector.broadcast %add3A_235 : i32 to vector<16xi32>
      %add3A_237 = arith.addi %get3A_217, %add3A_236 : vector<16xi32>
      %gather3A_238 = tpu.vector_load_idx %arg8[%add3A_237] : memref<40000xf32, #tpu.memory_space<vmem>>[vector<16xi32>], vector<16xf32>,
      %add3A_239 = arith.constant 20224 : i32
      %add3A_240 = vector.broadcast %add3A_239 : i32 to vector<16xi32>
      %add3A_241 = arith.addi %get3A_220, %add3A_240 : vector<16xi32>
      tpu.vector_store_idx %arg9[%add3A_241], %gather3A_238 {add = true} : memref<40448xf32, #tpu.memory_space<vmem>>[vector<16xi32>], vector<16xf32>,
      %add3A_242 = arith.constant 3 : i32
      %add3A_243 = vector.broadcast %add3A_242 : i32 to vector<16xi32>
      %add3A_244 = arith.addi %get3A_217, %add3A_243 : vector<16xi32>
      %gather3A_245 = tpu.vector_load_idx %arg8[%add3A_244] : memref<40000xf32, #tpu.memory_space<vmem>>[vector<16xi32>], vector<16xf32>,
      %add3A_246 = arith.constant 30336 : i32
      %add3A_247 = vector.broadcast %add3A_246 : i32 to vector<16xi32>
      %add3A_248 = arith.addi %get3A_220, %add3A_247 : vector<16xi32>
      tpu.vector_store_idx %arg9[%add3A_248], %gather3A_245 {add = true} : memref<40448xf32, #tpu.memory_space<vmem>>[vector<16xi32>], vector<16xf32>,
      %get3A_249 = arith.index_cast %scan3A_12 : i32 to index
      %get3A_250 = arith.constant 112 : index
      %get3A_251 = tpu.vector_load %arg6[%get3A_249, %get3A_250] {strides = array<i32>} : memref<79x128xi32, #tpu.memory_space<vmem>>, vector<16xi32>,
      %get3A_252 = arith.index_cast %scan3A_12 : i32 to index
      %get3A_253 = arith.constant 112 : index
      %get3A_254 = tpu.vector_load %arg7[%get3A_252, %get3A_253] {strides = array<i32>} : memref<79x128xi32, #tpu.memory_space<vmem>>, vector<16xi32>,
      %add3A_255 = arith.constant 0 : i32
      %add3A_256 = vector.broadcast %add3A_255 : i32 to vector<16xi32>
      %add3A_257 = arith.addi %get3A_251, %add3A_256 : vector<16xi32>
      %gather3A_258 = tpu.vector_load_idx %arg8[%add3A_257] : memref<40000xf32, #tpu.memory_space<vmem>>[vector<16xi32>], vector<16xf32>,
      %add3A_259 = arith.constant 0 : i32
      %add3A_260 = vector.broadcast %add3A_259 : i32 to vector<16xi32>
      %add3A_261 = arith.addi %get3A_254, %add3A_260 : vector<16xi32>
      tpu.vector_store_idx %arg9[%add3A_261], %gather3A_258 {add = true} : memref<40448xf32, #tpu.memory_space<vmem>>[vector<16xi32>], vector<16xf32>,
      %add3A_262 = arith.constant 1 : i32
      %add3A_263 = vector.broadcast %add3A_262 : i32 to vector<16xi32>
      %add3A_264 = arith.addi %get3A_251, %add3A_263 : vector<16xi32>
      %gather3A_265 = tpu.vector_load_idx %arg8[%add3A_264] : memref<40000xf32, #tpu.memory_space<vmem>>[vector<16xi32>], vector<16xf32>,
      %add3A_266 = arith.constant 10112 : i32
      %add3A_267 = vector.broadcast %add3A_266 : i32 to vector<16xi32>
      %add3A_268 = arith.addi %get3A_254, %add3A_267 : vector<16xi32>
      tpu.vector_store_idx %arg9[%add3A_268], %gather3A_265 {add = true} : memref<40448xf32, #tpu.memory_space<vmem>>[vector<16xi32>], vector<16xf32>,
      %add3A_269 = arith.constant 2 : i32
      %add3A_270 = vector.broadcast %add3A_269 : i32 to vector<16xi32>
      %add3A_271 = arith.addi %get3A_251, %add3A_270 : vector<16xi32>
      %gather3A_272 = tpu.vector_load_idx %arg8[%add3A_271] : memref<40000xf32, #tpu.memory_space<vmem>>[vector<16xi32>], vector<16xf32>,
      %add3A_273 = arith.constant 20224 : i32
      %add3A_274 = vector.broadcast %add3A_273 : i32 to vector<16xi32>
      %add3A_275 = arith.addi %get3A_254, %add3A_274 : vector<16xi32>
      tpu.vector_store_idx %arg9[%add3A_275], %gather3A_272 {add = true} : memref<40448xf32, #tpu.memory_space<vmem>>[vector<16xi32>], vector<16xf32>,
      %add3A_276 = arith.constant 3 : i32
      %add3A_277 = vector.broadcast %add3A_276 : i32 to vector<16xi32>
      %add3A_278 = arith.addi %get3A_251, %add3A_277 : vector<16xi32>
      %gather3A_279 = tpu.vector_load_idx %arg8[%add3A_278] : memref<40000xf32, #tpu.memory_space<vmem>>[vector<16xi32>], vector<16xf32>,
      %add3A_280 = arith.constant 30336 : i32
      %add3A_281 = vector.broadcast %add3A_280 : i32 to vector<16xi32>
      %add3A_282 = arith.addi %get3A_254, %add3A_281 : vector<16xi32>
      tpu.vector_store_idx %arg9[%add3A_282], %gather3A_279 {add = true} : memref<40448xf32, #tpu.memory_space<vmem>>[vector<16xi32>], vector<16xf32>,
    }
    %scan3A_11 = arith.constant 79 : i32
    "tpu.region"() ({
      %run_scoped3A = tpu.sem_alloc : memref<!tpu.dma_semaphore, #tpu.memory_space<semaphore_mem>>
      %dma_start3A = arith.constant 0 : i32
      %dma_start3A_12 = tpu.memref_slice %arg5[%add3A, %dma_start3A] : memref<32x40448xf32, #tpu.memory_space<hbm>> -> memref<1x40448xf32, #tpu.memory_space<hbm>>
      %dma_start3A_13 = tpu.memref_squeeze %dma_start3A_12 : memref<1x40448xf32, #tpu.memory_space<hbm>> -> memref<40448xf32, #tpu.memory_space<hbm>>
      %dma_start3A_14 = arith.constant 0 : i32
      %dma_start3A_15 = tpu.memref_slice %arg5[%add3A, %dma_start3A_14] : memref<32x40448xf32, #tpu.memory_space<hbm>> -> memref<1x40448xf32, #tpu.memory_space<hbm>>
      %dma_start3A_16 = tpu.memref_squeeze %dma_start3A_15 : memref<1x40448xf32, #tpu.memory_space<hbm>> -> memref<40448xf32, #tpu.memory_space<hbm>>
      tpu.enqueue_dma source(%arg9 : memref<40448xf32, #tpu.memory_space<vmem>>) target(%dma_start3A_16 : memref<40448xf32, #tpu.memory_space<hbm>>) target_semaphore(%run_scoped3A : memref<!tpu.dma_semaphore, #tpu.memory_space<semaphore_mem>>)
      %dma_wait3A = arith.constant 0 : i32
      %dma_wait3A_17 = tpu.memref_slice %arg5[%add3A, %dma_wait3A] : memref<32x40448xf32, #tpu.memory_space<hbm>> -> memref<1x40448xf32, #tpu.memory_space<hbm>>
      %dma_wait3A_18 = tpu.memref_squeeze %dma_wait3A_17 : memref<1x40448xf32, #tpu.memory_space<hbm>> -> memref<40448xf32, #tpu.memory_space<hbm>>
      %dma_wait3A_19 = arith.constant 0 : i32
      %dma_wait3A_20 = tpu.memref_slice %arg5[%add3A, %dma_wait3A_19] : memref<32x40448xf32, #tpu.memory_space<hbm>> -> memref<1x40448xf32, #tpu.memory_space<hbm>>
      %dma_wait3A_21 = tpu.memref_squeeze %dma_wait3A_20 : memref<1x40448xf32, #tpu.memory_space<hbm>> -> memref<40448xf32, #tpu.memory_space<hbm>>
      tpu.wait_dma2 semaphore(%run_scoped3A : memref<!tpu.dma_semaphore, #tpu.memory_space<semaphore_mem>>) src(%arg9 : memref<40448xf32, #tpu.memory_space<vmem>>) dst(%dma_wait3A_21 : memref<40448xf32, #tpu.memory_space<hbm>>)
      tpu.yield
    }) : () -> ()
    return
  }
}

#map = affine_map<(d0, d1) -> (0, 0)>
#map1 = affine_map<(d0, d1) -> (0, 0, 0)>
module attributes {stable_mosaic.version = 14 : i64} {
  func.func @sc_wide(%arg0: i32, %arg1: i32, %arg2: memref<10000x128xf32, #tpu.memory_space<hbm>>, %arg3: memref<2528x128xi32, #tpu.memory_space<hbm>>, %arg4: memref<2528x128xi32, #tpu.memory_space<hbm>>, %arg5: memref<2x10112x128xf32, #tpu.memory_space<hbm>>, %arg6: memref<2x128xi32, #tpu.memory_space<vmem>>, %arg7: memref<2x128xi32, #tpu.memory_space<vmem>>, %arg8: memref<2x128x128xf32, #tpu.memory_space<vmem>>, %arg9: memref<10112x128xf32, #tpu.memory_space<vmem_shared>>, %arg10: memref<2x!tpu.dma_semaphore, #tpu.memory_space<semaphore_mem>>, %arg11: memref<2x!tpu.dma_semaphore, #tpu.memory_space<semaphore_mem>>, %arg12: memref<2x!tpu.dma_semaphore, #tpu.memory_space<semaphore_mem>>) attributes {dimension_semantics = [#tpu.dimension_semantics<core_parallel>, #tpu.dimension_semantics<subcore_parallel>], iteration_bounds = array<i64: 2, 16>, scalar_prefetch = 0 : i64, scratch_operands = 7 : i64, tpu.core_type = #tpu.core_type<sc_vector_subcore>, window_params = [{transform_indices = #map}, {transform_indices = #map}, {transform_indices = #map}, {transform_indices = #map1}]} {
    %mul3A = arith.constant 632 : i32
    %mul3A_0 = arith.muli %arg1, %mul3A : i32
    %eq3A = arith.constant 0 : i32
    %eq3A_1 = arith.cmpi eq, %arg0, %eq3A : i32
    %jit3A = arith.constant 137 : i32
    %jit3A_2 = arith.constant 21 : i32
    %select_n3A = arith.select %eq3A_1, %jit3A, %jit3A_2 : i32
    %eq3A_3 = arith.constant 0 : i32
    %eq3A_4 = arith.cmpi eq, %arg0, %eq3A_3 : i32
    %mul3A_5 = arith.constant 137 : i32
    %mul3A_6 = arith.muli %arg1, %mul3A_5 : i32
    %mul3A_7 = arith.constant 21 : i32
    %mul3A_8 = arith.muli %arg1, %mul3A_7 : i32
    %add3A = arith.constant 2192 : i32
    %add3A_9 = arith.addi %add3A, %mul3A_8 : i32
    %select_n3A_10 = arith.select %eq3A_4, %mul3A_6, %add3A_9 : i32
    %scan3A = arith.constant 0 : i32
    %scan3A_11 = arith.constant 0 : i32
    %scan3A_12 = arith.constant 1024 : i32
    %scan3A_13 = arith.addi %scan3A_11, %scan3A_12 : i32
    %scan3A_14 = arith.constant 1 : i32
    scf.for %scan3A_49 = %scan3A_11 to %scan3A_13 step %scan3A_14  : i32 {
      %broadcast_in_dim3A = arith.constant 0.000000e+00 : f32
      %broadcast_in_dim3A_50 = vector.broadcast %broadcast_in_dim3A : f32 to vector<16xf32>
      %jit3A_51 = arith.constant 8 : i32
      %div3A = arith.divsi %scan3A_49, %jit3A_51 : i32
      %sign3A = arith.constant 0 : i32
      %sign3A_52 = arith.cmpi sgt, %scan3A_49, %sign3A : i32
      %sign3A_53 = arith.extui %sign3A_52 : i1 to i32
      %sign3A_54 = arith.constant 0 : i32
      %sign3A_55 = arith.cmpi slt, %scan3A_49, %sign3A_54 : i32
      %sign3A_56 = arith.extui %sign3A_55 : i1 to i32
      %sign3A_57 = arith.subi %sign3A_53, %sign3A_56 : i32
      %sign3A_58 = arith.constant 0 : i32
      %sign3A_59 = arith.cmpi sgt, %jit3A_51, %sign3A_58 : i32
      %sign3A_60 = arith.extui %sign3A_59 : i1 to i32
      %sign3A_61 = arith.constant 0 : i32
      %sign3A_62 = arith.cmpi slt, %jit3A_51, %sign3A_61 : i32
      %sign3A_63 = arith.extui %sign3A_62 : i1 to i32
      %sign3A_64 = arith.subi %sign3A_60, %sign3A_63 : i32
      %ne3A = arith.cmpi ne, %sign3A_57, %sign3A_64 : i32
      %rem3A = arith.remsi %scan3A_49, %jit3A_51 : i32
      %ne3A_65 = arith.constant 0 : i32
      %ne3A_66 = arith.cmpi ne, %rem3A, %ne3A_65 : i32
      %and3A = arith.andi %ne3A, %ne3A_66 : i1
      %sub3A = arith.constant 1 : i32
      %sub3A_67 = arith.subi %div3A, %sub3A : i32
      %select_n3A_68 = arith.select %and3A, %sub3A_67, %div3A : i32
      %jit3A_69 = arith.constant 8 : i32
      %eq3A_70 = arith.constant 0 : i32
      %eq3A_71 = arith.cmpi eq, %jit3A_69, %eq3A_70 : i32
      %jit3A_72 = arith.constant 1 : i32
      %select_n3A_73 = arith.select %eq3A_71, %jit3A_72, %jit3A_69 : i32
      %rem3A_74 = arith.remsi %scan3A_49, %select_n3A_73 : i32
      %ne3A_75 = arith.constant 0 : i32
      %ne3A_76 = arith.cmpi ne, %rem3A_74, %ne3A_75 : i32
      %lt3A = arith.constant 0 : i32
      %lt3A_77 = arith.cmpi slt, %rem3A_74, %lt3A : i32
      %lt3A_78 = arith.constant 0 : i32
      %lt3A_79 = arith.cmpi slt, %select_n3A_73, %lt3A_78 : i32
      %ne3A_80 = arith.xori %lt3A_77, %lt3A_79 : i1
      %and3A_81 = arith.andi %ne3A_80, %ne3A_76 : i1
      %add3A_82 = arith.addi %rem3A_74, %select_n3A_73 : i32
      %select_n3A_83 = arith.select %and3A_81, %add3A_82, %rem3A_74 : i32
      %mul3A_84 = arith.constant 16 : i32
      %mul3A_85 = arith.muli %select_n3A_83, %mul3A_84 : i32
      %swap3A = arith.constant 0 : i32
      %swap3A_86 = arith.index_cast %swap3A : i32 to index
      %swap3A_87 = arith.index_cast %select_n3A_68 : i32 to index
      %swap3A_88 = arith.index_cast %mul3A_85 : i32 to index
      %swap3A_89 = tpu.vector_load %arg8[%swap3A_86, %swap3A_87, %swap3A_88] {strides = array<i32>} : memref<2x128x128xf32, #tpu.memory_space<vmem>>, vector<1x1x16xf32>,
      %swap3A_90 = vector.shape_cast %swap3A_89 : vector<1x1x16xf32> to vector<16xf32>
      %swap3A_91 = vector.shape_cast %broadcast_in_dim3A_50 : vector<16xf32> to vector<1x1x16xf32>
      tpu.vector_store %arg8[%swap3A_86, %swap3A_87, %swap3A_88], %swap3A_91 {strides = array<i32>} : memref<2x128x128xf32, #tpu.memory_space<vmem>>, vector<1x1x16xf32>,
    }
    %scan3A_15 = arith.constant 1024 : i32
    %add3A_16 = arith.constant 0 : i32
    %add3A_17 = arith.addi %mul3A_0, %add3A_16 : i32
    %run_scoped3A = arith.constant 0 : i32
    "tpu.region"() ({
      %run_scoped3A_49 = tpu.sem_alloc : memref<!tpu.dma_semaphore, #tpu.memory_space<semaphore_mem>>
      %dma_start3A = arith.constant 0 : i32
      %dma_start3A_50 = arith.constant 0 : i32
      %dma_start3A_51 = tpu.memref_slice %arg8[%run_scoped3A, %dma_start3A, %dma_start3A_50] : memref<2x128x128xf32, #tpu.memory_space<vmem>> -> memref<1x128x128xf32, #tpu.memory_space<vmem>>
      %dma_start3A_52 = tpu.memref_squeeze %dma_start3A_51 : memref<1x128x128xf32, #tpu.memory_space<vmem>> -> memref<128x128xf32, #tpu.memory_space<vmem>>
      %dma_start3A_53 = arith.constant 0 : i32
      %dma_start3A_54 = tpu.memref_slice %arg9[%add3A_17, %dma_start3A_53] : memref<10112x128xf32, #tpu.memory_space<vmem_shared>> -> memref<128x128xf32, #tpu.memory_space<vmem_shared>>
      %dma_start3A_55 = arith.constant 0 : i32
      %dma_start3A_56 = tpu.memref_slice %arg9[%add3A_17, %dma_start3A_55] : memref<10112x128xf32, #tpu.memory_space<vmem_shared>> -> memref<128x128xf32, #tpu.memory_space<vmem_shared>>
      %dma_start3A_57 = arith.constant 0 : i32
      %dma_start3A_58 = arith.constant 0 : i32
      %dma_start3A_59 = tpu.memref_slice %arg8[%run_scoped3A, %dma_start3A_57, %dma_start3A_58] : memref<2x128x128xf32, #tpu.memory_space<vmem>> -> memref<1x128x128xf32, #tpu.memory_space<vmem>>
      %dma_start3A_60 = tpu.memref_squeeze %dma_start3A_59 : memref<1x128x128xf32, #tpu.memory_space<vmem>> -> memref<128x128xf32, #tpu.memory_space<vmem>>
      tpu.enqueue_dma source(%dma_start3A_60 : memref<128x128xf32, #tpu.memory_space<vmem>>) target(%dma_start3A_56 : memref<128x128xf32, #tpu.memory_space<vmem_shared>>) target_semaphore(%run_scoped3A_49 : memref<!tpu.dma_semaphore, #tpu.memory_space<semaphore_mem>>)
      %dma_wait3A = arith.constant 0 : i32
      %dma_wait3A_61 = arith.constant 0 : i32
      %dma_wait3A_62 = tpu.memref_slice %arg8[%run_scoped3A, %dma_wait3A, %dma_wait3A_61] : memref<2x128x128xf32, #tpu.memory_space<vmem>> -> memref<1x128x128xf32, #tpu.memory_space<vmem>>
      %dma_wait3A_63 = tpu.memref_squeeze %dma_wait3A_62 : memref<1x128x128xf32, #tpu.memory_space<vmem>> -> memref<128x128xf32, #tpu.memory_space<vmem>>
      %dma_wait3A_64 = arith.constant 0 : i32
      %dma_wait3A_65 = tpu.memref_slice %arg9[%add3A_17, %dma_wait3A_64] : memref<10112x128xf32, #tpu.memory_space<vmem_shared>> -> memref<128x128xf32, #tpu.memory_space<vmem_shared>>
      %dma_wait3A_66 = arith.constant 0 : i32
      %dma_wait3A_67 = tpu.memref_slice %arg9[%add3A_17, %dma_wait3A_66] : memref<10112x128xf32, #tpu.memory_space<vmem_shared>> -> memref<128x128xf32, #tpu.memory_space<vmem_shared>>
      %dma_wait3A_68 = arith.constant 0 : i32
      %dma_wait3A_69 = arith.constant 0 : i32
      %dma_wait3A_70 = tpu.memref_slice %arg8[%run_scoped3A, %dma_wait3A_68, %dma_wait3A_69] : memref<2x128x128xf32, #tpu.memory_space<vmem>> -> memref<1x128x128xf32, #tpu.memory_space<vmem>>
      %dma_wait3A_71 = tpu.memref_squeeze %dma_wait3A_70 : memref<1x128x128xf32, #tpu.memory_space<vmem>> -> memref<128x128xf32, #tpu.memory_space<vmem>>
      tpu.wait_dma2 semaphore(%run_scoped3A_49 : memref<!tpu.dma_semaphore, #tpu.memory_space<semaphore_mem>>) src(%dma_wait3A_71 : memref<128x128xf32, #tpu.memory_space<vmem>>) dst(%dma_wait3A_67 : memref<128x128xf32, #tpu.memory_space<vmem_shared>>)
      tpu.yield
    }) : () -> ()
    %add3A_18 = arith.constant 128 : i32
    %add3A_19 = arith.addi %mul3A_0, %add3A_18 : i32
    %run_scoped3A_20 = arith.constant 0 : i32
    "tpu.region"() ({
      %run_scoped3A_49 = tpu.sem_alloc : memref<!tpu.dma_semaphore, #tpu.memory_space<semaphore_mem>>
      %dma_start3A = arith.constant 0 : i32
      %dma_start3A_50 = arith.constant 0 : i32
      %dma_start3A_51 = tpu.memref_slice %arg8[%run_scoped3A_20, %dma_start3A, %dma_start3A_50] : memref<2x128x128xf32, #tpu.memory_space<vmem>> -> memref<1x128x128xf32, #tpu.memory_space<vmem>>
      %dma_start3A_52 = tpu.memref_squeeze %dma_start3A_51 : memref<1x128x128xf32, #tpu.memory_space<vmem>> -> memref<128x128xf32, #tpu.memory_space<vmem>>
      %dma_start3A_53 = arith.constant 0 : i32
      %dma_start3A_54 = tpu.memref_slice %arg9[%add3A_19, %dma_start3A_53] : memref<10112x128xf32, #tpu.memory_space<vmem_shared>> -> memref<128x128xf32, #tpu.memory_space<vmem_shared>>
      %dma_start3A_55 = arith.constant 0 : i32
      %dma_start3A_56 = tpu.memref_slice %arg9[%add3A_19, %dma_start3A_55] : memref<10112x128xf32, #tpu.memory_space<vmem_shared>> -> memref<128x128xf32, #tpu.memory_space<vmem_shared>>
      %dma_start3A_57 = arith.constant 0 : i32
      %dma_start3A_58 = arith.constant 0 : i32
      %dma_start3A_59 = tpu.memref_slice %arg8[%run_scoped3A_20, %dma_start3A_57, %dma_start3A_58] : memref<2x128x128xf32, #tpu.memory_space<vmem>> -> memref<1x128x128xf32, #tpu.memory_space<vmem>>
      %dma_start3A_60 = tpu.memref_squeeze %dma_start3A_59 : memref<1x128x128xf32, #tpu.memory_space<vmem>> -> memref<128x128xf32, #tpu.memory_space<vmem>>
      tpu.enqueue_dma source(%dma_start3A_60 : memref<128x128xf32, #tpu.memory_space<vmem>>) target(%dma_start3A_56 : memref<128x128xf32, #tpu.memory_space<vmem_shared>>) target_semaphore(%run_scoped3A_49 : memref<!tpu.dma_semaphore, #tpu.memory_space<semaphore_mem>>)
      %dma_wait3A = arith.constant 0 : i32
      %dma_wait3A_61 = arith.constant 0 : i32
      %dma_wait3A_62 = tpu.memref_slice %arg8[%run_scoped3A_20, %dma_wait3A, %dma_wait3A_61] : memref<2x128x128xf32, #tpu.memory_space<vmem>> -> memref<1x128x128xf32, #tpu.memory_space<vmem>>
      %dma_wait3A_63 = tpu.memref_squeeze %dma_wait3A_62 : memref<1x128x128xf32, #tpu.memory_space<vmem>> -> memref<128x128xf32, #tpu.memory_space<vmem>>
      %dma_wait3A_64 = arith.constant 0 : i32
      %dma_wait3A_65 = tpu.memref_slice %arg9[%add3A_19, %dma_wait3A_64] : memref<10112x128xf32, #tpu.memory_space<vmem_shared>> -> memref<128x128xf32, #tpu.memory_space<vmem_shared>>
      %dma_wait3A_66 = arith.constant 0 : i32
      %dma_wait3A_67 = tpu.memref_slice %arg9[%add3A_19, %dma_wait3A_66] : memref<10112x128xf32, #tpu.memory_space<vmem_shared>> -> memref<128x128xf32, #tpu.memory_space<vmem_shared>>
      %dma_wait3A_68 = arith.constant 0 : i32
      %dma_wait3A_69 = arith.constant 0 : i32
      %dma_wait3A_70 = tpu.memref_slice %arg8[%run_scoped3A_20, %dma_wait3A_68, %dma_wait3A_69] : memref<2x128x128xf32, #tpu.memory_space<vmem>> -> memref<1x128x128xf32, #tpu.memory_space<vmem>>
      %dma_wait3A_71 = tpu.memref_squeeze %dma_wait3A_70 : memref<1x128x128xf32, #tpu.memory_space<vmem>> -> memref<128x128xf32, #tpu.memory_space<vmem>>
      tpu.wait_dma2 semaphore(%run_scoped3A_49 : memref<!tpu.dma_semaphore, #tpu.memory_space<semaphore_mem>>) src(%dma_wait3A_71 : memref<128x128xf32, #tpu.memory_space<vmem>>) dst(%dma_wait3A_67 : memref<128x128xf32, #tpu.memory_space<vmem_shared>>)
      tpu.yield
    }) : () -> ()
    %add3A_21 = arith.constant 256 : i32
    %add3A_22 = arith.addi %mul3A_0, %add3A_21 : i32
    %run_scoped3A_23 = arith.constant 0 : i32
    "tpu.region"() ({
      %run_scoped3A_49 = tpu.sem_alloc : memref<!tpu.dma_semaphore, #tpu.memory_space<semaphore_mem>>
      %dma_start3A = arith.constant 0 : i32
      %dma_start3A_50 = arith.constant 0 : i32
      %dma_start3A_51 = tpu.memref_slice %arg8[%run_scoped3A_23, %dma_start3A, %dma_start3A_50] : memref<2x128x128xf32, #tpu.memory_space<vmem>> -> memref<1x128x128xf32, #tpu.memory_space<vmem>>
      %dma_start3A_52 = tpu.memref_squeeze %dma_start3A_51 : memref<1x128x128xf32, #tpu.memory_space<vmem>> -> memref<128x128xf32, #tpu.memory_space<vmem>>
      %dma_start3A_53 = arith.constant 0 : i32
      %dma_start3A_54 = tpu.memref_slice %arg9[%add3A_22, %dma_start3A_53] : memref<10112x128xf32, #tpu.memory_space<vmem_shared>> -> memref<128x128xf32, #tpu.memory_space<vmem_shared>>
      %dma_start3A_55 = arith.constant 0 : i32
      %dma_start3A_56 = tpu.memref_slice %arg9[%add3A_22, %dma_start3A_55] : memref<10112x128xf32, #tpu.memory_space<vmem_shared>> -> memref<128x128xf32, #tpu.memory_space<vmem_shared>>
      %dma_start3A_57 = arith.constant 0 : i32
      %dma_start3A_58 = arith.constant 0 : i32
      %dma_start3A_59 = tpu.memref_slice %arg8[%run_scoped3A_23, %dma_start3A_57, %dma_start3A_58] : memref<2x128x128xf32, #tpu.memory_space<vmem>> -> memref<1x128x128xf32, #tpu.memory_space<vmem>>
      %dma_start3A_60 = tpu.memref_squeeze %dma_start3A_59 : memref<1x128x128xf32, #tpu.memory_space<vmem>> -> memref<128x128xf32, #tpu.memory_space<vmem>>
      tpu.enqueue_dma source(%dma_start3A_60 : memref<128x128xf32, #tpu.memory_space<vmem>>) target(%dma_start3A_56 : memref<128x128xf32, #tpu.memory_space<vmem_shared>>) target_semaphore(%run_scoped3A_49 : memref<!tpu.dma_semaphore, #tpu.memory_space<semaphore_mem>>)
      %dma_wait3A = arith.constant 0 : i32
      %dma_wait3A_61 = arith.constant 0 : i32
      %dma_wait3A_62 = tpu.memref_slice %arg8[%run_scoped3A_23, %dma_wait3A, %dma_wait3A_61] : memref<2x128x128xf32, #tpu.memory_space<vmem>> -> memref<1x128x128xf32, #tpu.memory_space<vmem>>
      %dma_wait3A_63 = tpu.memref_squeeze %dma_wait3A_62 : memref<1x128x128xf32, #tpu.memory_space<vmem>> -> memref<128x128xf32, #tpu.memory_space<vmem>>
      %dma_wait3A_64 = arith.constant 0 : i32
      %dma_wait3A_65 = tpu.memref_slice %arg9[%add3A_22, %dma_wait3A_64] : memref<10112x128xf32, #tpu.memory_space<vmem_shared>> -> memref<128x128xf32, #tpu.memory_space<vmem_shared>>
      %dma_wait3A_66 = arith.constant 0 : i32
      %dma_wait3A_67 = tpu.memref_slice %arg9[%add3A_22, %dma_wait3A_66] : memref<10112x128xf32, #tpu.memory_space<vmem_shared>> -> memref<128x128xf32, #tpu.memory_space<vmem_shared>>
      %dma_wait3A_68 = arith.constant 0 : i32
      %dma_wait3A_69 = arith.constant 0 : i32
      %dma_wait3A_70 = tpu.memref_slice %arg8[%run_scoped3A_23, %dma_wait3A_68, %dma_wait3A_69] : memref<2x128x128xf32, #tpu.memory_space<vmem>> -> memref<1x128x128xf32, #tpu.memory_space<vmem>>
      %dma_wait3A_71 = tpu.memref_squeeze %dma_wait3A_70 : memref<1x128x128xf32, #tpu.memory_space<vmem>> -> memref<128x128xf32, #tpu.memory_space<vmem>>
      tpu.wait_dma2 semaphore(%run_scoped3A_49 : memref<!tpu.dma_semaphore, #tpu.memory_space<semaphore_mem>>) src(%dma_wait3A_71 : memref<128x128xf32, #tpu.memory_space<vmem>>) dst(%dma_wait3A_67 : memref<128x128xf32, #tpu.memory_space<vmem_shared>>)
      tpu.yield
    }) : () -> ()
    %add3A_24 = arith.constant 384 : i32
    %add3A_25 = arith.addi %mul3A_0, %add3A_24 : i32
    %run_scoped3A_26 = arith.constant 0 : i32
    "tpu.region"() ({
      %run_scoped3A_49 = tpu.sem_alloc : memref<!tpu.dma_semaphore, #tpu.memory_space<semaphore_mem>>
      %dma_start3A = arith.constant 0 : i32
      %dma_start3A_50 = arith.constant 0 : i32
      %dma_start3A_51 = tpu.memref_slice %arg8[%run_scoped3A_26, %dma_start3A, %dma_start3A_50] : memref<2x128x128xf32, #tpu.memory_space<vmem>> -> memref<1x128x128xf32, #tpu.memory_space<vmem>>
      %dma_start3A_52 = tpu.memref_squeeze %dma_start3A_51 : memref<1x128x128xf32, #tpu.memory_space<vmem>> -> memref<128x128xf32, #tpu.memory_space<vmem>>
      %dma_start3A_53 = arith.constant 0 : i32
      %dma_start3A_54 = tpu.memref_slice %arg9[%add3A_25, %dma_start3A_53] : memref<10112x128xf32, #tpu.memory_space<vmem_shared>> -> memref<128x128xf32, #tpu.memory_space<vmem_shared>>
      %dma_start3A_55 = arith.constant 0 : i32
      %dma_start3A_56 = tpu.memref_slice %arg9[%add3A_25, %dma_start3A_55] : memref<10112x128xf32, #tpu.memory_space<vmem_shared>> -> memref<128x128xf32, #tpu.memory_space<vmem_shared>>
      %dma_start3A_57 = arith.constant 0 : i32
      %dma_start3A_58 = arith.constant 0 : i32
      %dma_start3A_59 = tpu.memref_slice %arg8[%run_scoped3A_26, %dma_start3A_57, %dma_start3A_58] : memref<2x128x128xf32, #tpu.memory_space<vmem>> -> memref<1x128x128xf32, #tpu.memory_space<vmem>>
      %dma_start3A_60 = tpu.memref_squeeze %dma_start3A_59 : memref<1x128x128xf32, #tpu.memory_space<vmem>> -> memref<128x128xf32, #tpu.memory_space<vmem>>
      tpu.enqueue_dma source(%dma_start3A_60 : memref<128x128xf32, #tpu.memory_space<vmem>>) target(%dma_start3A_56 : memref<128x128xf32, #tpu.memory_space<vmem_shared>>) target_semaphore(%run_scoped3A_49 : memref<!tpu.dma_semaphore, #tpu.memory_space<semaphore_mem>>)
      %dma_wait3A = arith.constant 0 : i32
      %dma_wait3A_61 = arith.constant 0 : i32
      %dma_wait3A_62 = tpu.memref_slice %arg8[%run_scoped3A_26, %dma_wait3A, %dma_wait3A_61] : memref<2x128x128xf32, #tpu.memory_space<vmem>> -> memref<1x128x128xf32, #tpu.memory_space<vmem>>
      %dma_wait3A_63 = tpu.memref_squeeze %dma_wait3A_62 : memref<1x128x128xf32, #tpu.memory_space<vmem>> -> memref<128x128xf32, #tpu.memory_space<vmem>>
      %dma_wait3A_64 = arith.constant 0 : i32
      %dma_wait3A_65 = tpu.memref_slice %arg9[%add3A_25, %dma_wait3A_64] : memref<10112x128xf32, #tpu.memory_space<vmem_shared>> -> memref<128x128xf32, #tpu.memory_space<vmem_shared>>
      %dma_wait3A_66 = arith.constant 0 : i32
      %dma_wait3A_67 = tpu.memref_slice %arg9[%add3A_25, %dma_wait3A_66] : memref<10112x128xf32, #tpu.memory_space<vmem_shared>> -> memref<128x128xf32, #tpu.memory_space<vmem_shared>>
      %dma_wait3A_68 = arith.constant 0 : i32
      %dma_wait3A_69 = arith.constant 0 : i32
      %dma_wait3A_70 = tpu.memref_slice %arg8[%run_scoped3A_26, %dma_wait3A_68, %dma_wait3A_69] : memref<2x128x128xf32, #tpu.memory_space<vmem>> -> memref<1x128x128xf32, #tpu.memory_space<vmem>>
      %dma_wait3A_71 = tpu.memref_squeeze %dma_wait3A_70 : memref<1x128x128xf32, #tpu.memory_space<vmem>> -> memref<128x128xf32, #tpu.memory_space<vmem>>
      tpu.wait_dma2 semaphore(%run_scoped3A_49 : memref<!tpu.dma_semaphore, #tpu.memory_space<semaphore_mem>>) src(%dma_wait3A_71 : memref<128x128xf32, #tpu.memory_space<vmem>>) dst(%dma_wait3A_67 : memref<128x128xf32, #tpu.memory_space<vmem_shared>>)
      tpu.yield
    }) : () -> ()
    %add3A_27 = arith.constant 512 : i32
    %add3A_28 = arith.addi %mul3A_0, %add3A_27 : i32
    %run_scoped3A_29 = arith.constant 0 : i32
    "tpu.region"() ({
      %run_scoped3A_49 = tpu.sem_alloc : memref<!tpu.dma_semaphore, #tpu.memory_space<semaphore_mem>>
      %dma_start3A = arith.constant 0 : i32
      %dma_start3A_50 = arith.constant 0 : i32
      %dma_start3A_51 = tpu.memref_slice %arg8[%run_scoped3A_29, %dma_start3A, %dma_start3A_50] : memref<2x128x128xf32, #tpu.memory_space<vmem>> -> memref<1x120x128xf32, #tpu.memory_space<vmem>>
      %dma_start3A_52 = tpu.memref_squeeze %dma_start3A_51 : memref<1x120x128xf32, #tpu.memory_space<vmem>> -> memref<120x128xf32, #tpu.memory_space<vmem>>
      %dma_start3A_53 = arith.constant 0 : i32
      %dma_start3A_54 = tpu.memref_slice %arg9[%add3A_28, %dma_start3A_53] : memref<10112x128xf32, #tpu.memory_space<vmem_shared>> -> memref<120x128xf32, #tpu.memory_space<vmem_shared>>
      %dma_start3A_55 = arith.constant 0 : i32
      %dma_start3A_56 = tpu.memref_slice %arg9[%add3A_28, %dma_start3A_55] : memref<10112x128xf32, #tpu.memory_space<vmem_shared>> -> memref<120x128xf32, #tpu.memory_space<vmem_shared>>
      %dma_start3A_57 = arith.constant 0 : i32
      %dma_start3A_58 = arith.constant 0 : i32
      %dma_start3A_59 = tpu.memref_slice %arg8[%run_scoped3A_29, %dma_start3A_57, %dma_start3A_58] : memref<2x128x128xf32, #tpu.memory_space<vmem>> -> memref<1x120x128xf32, #tpu.memory_space<vmem>>
      %dma_start3A_60 = tpu.memref_squeeze %dma_start3A_59 : memref<1x120x128xf32, #tpu.memory_space<vmem>> -> memref<120x128xf32, #tpu.memory_space<vmem>>
      tpu.enqueue_dma source(%dma_start3A_60 : memref<120x128xf32, #tpu.memory_space<vmem>>) target(%dma_start3A_56 : memref<120x128xf32, #tpu.memory_space<vmem_shared>>) target_semaphore(%run_scoped3A_49 : memref<!tpu.dma_semaphore, #tpu.memory_space<semaphore_mem>>)
      %dma_wait3A = arith.constant 0 : i32
      %dma_wait3A_61 = arith.constant 0 : i32
      %dma_wait3A_62 = tpu.memref_slice %arg8[%run_scoped3A_29, %dma_wait3A, %dma_wait3A_61] : memref<2x128x128xf32, #tpu.memory_space<vmem>> -> memref<1x120x128xf32, #tpu.memory_space<vmem>>
      %dma_wait3A_63 = tpu.memref_squeeze %dma_wait3A_62 : memref<1x120x128xf32, #tpu.memory_space<vmem>> -> memref<120x128xf32, #tpu.memory_space<vmem>>
      %dma_wait3A_64 = arith.constant 0 : i32
      %dma_wait3A_65 = tpu.memref_slice %arg9[%add3A_28, %dma_wait3A_64] : memref<10112x128xf32, #tpu.memory_space<vmem_shared>> -> memref<120x128xf32, #tpu.memory_space<vmem_shared>>
      %dma_wait3A_66 = arith.constant 0 : i32
      %dma_wait3A_67 = tpu.memref_slice %arg9[%add3A_28, %dma_wait3A_66] : memref<10112x128xf32, #tpu.memory_space<vmem_shared>> -> memref<120x128xf32, #tpu.memory_space<vmem_shared>>
      %dma_wait3A_68 = arith.constant 0 : i32
      %dma_wait3A_69 = arith.constant 0 : i32
      %dma_wait3A_70 = tpu.memref_slice %arg8[%run_scoped3A_29, %dma_wait3A_68, %dma_wait3A_69] : memref<2x128x128xf32, #tpu.memory_space<vmem>> -> memref<1x120x128xf32, #tpu.memory_space<vmem>>
      %dma_wait3A_71 = tpu.memref_squeeze %dma_wait3A_70 : memref<1x120x128xf32, #tpu.memory_space<vmem>> -> memref<120x128xf32, #tpu.memory_space<vmem>>
      tpu.wait_dma2 semaphore(%run_scoped3A_49 : memref<!tpu.dma_semaphore, #tpu.memory_space<semaphore_mem>>) src(%dma_wait3A_71 : memref<120x128xf32, #tpu.memory_space<vmem>>) dst(%dma_wait3A_67 : memref<120x128xf32, #tpu.memory_space<vmem_shared>>)
      tpu.yield
    }) : () -> ()
    %barrier3A = arith.constant 0 : index
    tpu.barrier barrier_id(%barrier3A)
    %gt3A = arith.constant 0 : i32
    %gt3A_30 = arith.cmpi sgt, %select_n3A, %gt3A : i32
    %convert_element_type3A = arith.extui %gt3A_30 : i1 to i32
    %cond3A = arith.constant 0 : i32
    %cond3A_31 = arith.cmpi ne, %convert_element_type3A, %cond3A : i32
    scf.if %cond3A_31 {
      %add3A_49 = arith.constant 0 : i32
      %add3A_50 = arith.addi %select_n3A_10, %add3A_49 : i32
      %dma_start3A = arith.constant 0 : i32
      %dma_start3A_51 = arith.constant 0 : i32
      %dma_start3A_52 = arith.constant 0 : i32
      %dma_start3A_53 = tpu.memref_slice %arg6[%dma_start3A, %dma_start3A_52] : memref<2x128xi32, #tpu.memory_space<vmem>> -> memref<1x128xi32, #tpu.memory_space<vmem>>
      %dma_start3A_54 = tpu.memref_squeeze %dma_start3A_53 : memref<1x128xi32, #tpu.memory_space<vmem>> -> memref<128xi32, #tpu.memory_space<vmem>>
      %dma_start3A_55 = arith.constant 0 : i32
      %dma_start3A_56 = tpu.memref_slice %arg3[%add3A_50, %dma_start3A_55] : memref<2528x128xi32, #tpu.memory_space<hbm>> -> memref<1x128xi32, #tpu.memory_space<hbm>>
      %dma_start3A_57 = tpu.memref_squeeze %dma_start3A_56 : memref<1x128xi32, #tpu.memory_space<hbm>> -> memref<128xi32, #tpu.memory_space<hbm>>
      %dma_start3A_58 = tpu.memref_slice %arg10[%dma_start3A_51] : memref<2x!tpu.dma_semaphore, #tpu.memory_space<semaphore_mem>> -> memref<1x!tpu.dma_semaphore, #tpu.memory_space<semaphore_mem>>
      %dma_start3A_59 = tpu.memref_squeeze %dma_start3A_58 : memref<1x!tpu.dma_semaphore, #tpu.memory_space<semaphore_mem>> -> memref<!tpu.dma_semaphore, #tpu.memory_space<semaphore_mem>>
      %dma_start3A_60 = arith.constant 0 : i32
      %dma_start3A_61 = tpu.memref_slice %arg6[%dma_start3A, %dma_start3A_60] : memref<2x128xi32, #tpu.memory_space<vmem>> -> memref<1x128xi32, #tpu.memory_space<vmem>>
      %dma_start3A_62 = tpu.memref_squeeze %dma_start3A_61 : memref<1x128xi32, #tpu.memory_space<vmem>> -> memref<128xi32, #tpu.memory_space<vmem>>
      %dma_start3A_63 = arith.constant 0 : i32
      %dma_start3A_64 = tpu.memref_slice %arg3[%add3A_50, %dma_start3A_63] : memref<2528x128xi32, #tpu.memory_space<hbm>> -> memref<1x128xi32, #tpu.memory_space<hbm>>
      %dma_start3A_65 = tpu.memref_squeeze %dma_start3A_64 : memref<1x128xi32, #tpu.memory_space<hbm>> -> memref<128xi32, #tpu.memory_space<hbm>>
      tpu.enqueue_dma source(%dma_start3A_65 : memref<128xi32, #tpu.memory_space<hbm>>) target(%dma_start3A_62 : memref<128xi32, #tpu.memory_space<vmem>>) target_semaphore(%dma_start3A_59 : memref<!tpu.dma_semaphore, #tpu.memory_space<semaphore_mem>>)
      %add3A_66 = arith.constant 0 : i32
      %add3A_67 = arith.addi %select_n3A_10, %add3A_66 : i32
      %dma_start3A_68 = arith.constant 0 : i32
      %dma_start3A_69 = arith.constant 0 : i32
      %dma_start3A_70 = arith.constant 0 : i32
      %dma_start3A_71 = tpu.memref_slice %arg7[%dma_start3A_68, %dma_start3A_70] : memref<2x128xi32, #tpu.memory_space<vmem>> -> memref<1x128xi32, #tpu.memory_space<vmem>>
      %dma_start3A_72 = tpu.memref_squeeze %dma_start3A_71 : memref<1x128xi32, #tpu.memory_space<vmem>> -> memref<128xi32, #tpu.memory_space<vmem>>
      %dma_start3A_73 = arith.constant 0 : i32
      %dma_start3A_74 = tpu.memref_slice %arg4[%add3A_67, %dma_start3A_73] : memref<2528x128xi32, #tpu.memory_space<hbm>> -> memref<1x128xi32, #tpu.memory_space<hbm>>
      %dma_start3A_75 = tpu.memref_squeeze %dma_start3A_74 : memref<1x128xi32, #tpu.memory_space<hbm>> -> memref<128xi32, #tpu.memory_space<hbm>>
      %dma_start3A_76 = tpu.memref_slice %arg11[%dma_start3A_69] : memref<2x!tpu.dma_semaphore, #tpu.memory_space<semaphore_mem>> -> memref<1x!tpu.dma_semaphore, #tpu.memory_space<semaphore_mem>>
      %dma_start3A_77 = tpu.memref_squeeze %dma_start3A_76 : memref<1x!tpu.dma_semaphore, #tpu.memory_space<semaphore_mem>> -> memref<!tpu.dma_semaphore, #tpu.memory_space<semaphore_mem>>
      %dma_start3A_78 = arith.constant 0 : i32
      %dma_start3A_79 = tpu.memref_slice %arg7[%dma_start3A_68, %dma_start3A_78] : memref<2x128xi32, #tpu.memory_space<vmem>> -> memref<1x128xi32, #tpu.memory_space<vmem>>
      %dma_start3A_80 = tpu.memref_squeeze %dma_start3A_79 : memref<1x128xi32, #tpu.memory_space<vmem>> -> memref<128xi32, #tpu.memory_space<vmem>>
      %dma_start3A_81 = arith.constant 0 : i32
      %dma_start3A_82 = tpu.memref_slice %arg4[%add3A_67, %dma_start3A_81] : memref<2528x128xi32, #tpu.memory_space<hbm>> -> memref<1x128xi32, #tpu.memory_space<hbm>>
      %dma_start3A_83 = tpu.memref_squeeze %dma_start3A_82 : memref<1x128xi32, #tpu.memory_space<hbm>> -> memref<128xi32, #tpu.memory_space<hbm>>
      tpu.enqueue_dma source(%dma_start3A_83 : memref<128xi32, #tpu.memory_space<hbm>>) target(%dma_start3A_80 : memref<128xi32, #tpu.memory_space<vmem>>) target_semaphore(%dma_start3A_77 : memref<!tpu.dma_semaphore, #tpu.memory_space<semaphore_mem>>)
    } else {
    }
    %gt3A_32 = arith.constant 1 : i32
    %gt3A_33 = arith.cmpi sgt, %select_n3A, %gt3A_32 : i32
    %convert_element_type3A_34 = arith.extui %gt3A_33 : i1 to i32
    %cond3A_35 = arith.constant 0 : i32
    %cond3A_36 = arith.cmpi ne, %convert_element_type3A_34, %cond3A_35 : i32
    scf.if %cond3A_36 {
      %add3A_49 = arith.constant 1 : i32
      %add3A_50 = arith.addi %select_n3A_10, %add3A_49 : i32
      %dma_start3A = arith.constant 1 : i32
      %dma_start3A_51 = arith.constant 1 : i32
      %dma_start3A_52 = arith.constant 0 : i32
      %dma_start3A_53 = tpu.memref_slice %arg6[%dma_start3A, %dma_start3A_52] : memref<2x128xi32, #tpu.memory_space<vmem>> -> memref<1x128xi32, #tpu.memory_space<vmem>>
      %dma_start3A_54 = tpu.memref_squeeze %dma_start3A_53 : memref<1x128xi32, #tpu.memory_space<vmem>> -> memref<128xi32, #tpu.memory_space<vmem>>
      %dma_start3A_55 = arith.constant 0 : i32
      %dma_start3A_56 = tpu.memref_slice %arg3[%add3A_50, %dma_start3A_55] : memref<2528x128xi32, #tpu.memory_space<hbm>> -> memref<1x128xi32, #tpu.memory_space<hbm>>
      %dma_start3A_57 = tpu.memref_squeeze %dma_start3A_56 : memref<1x128xi32, #tpu.memory_space<hbm>> -> memref<128xi32, #tpu.memory_space<hbm>>
      %dma_start3A_58 = tpu.memref_slice %arg10[%dma_start3A_51] : memref<2x!tpu.dma_semaphore, #tpu.memory_space<semaphore_mem>> -> memref<1x!tpu.dma_semaphore, #tpu.memory_space<semaphore_mem>>
      %dma_start3A_59 = tpu.memref_squeeze %dma_start3A_58 : memref<1x!tpu.dma_semaphore, #tpu.memory_space<semaphore_mem>> -> memref<!tpu.dma_semaphore, #tpu.memory_space<semaphore_mem>>
      %dma_start3A_60 = arith.constant 0 : i32
      %dma_start3A_61 = tpu.memref_slice %arg6[%dma_start3A, %dma_start3A_60] : memref<2x128xi32, #tpu.memory_space<vmem>> -> memref<1x128xi32, #tpu.memory_space<vmem>>
      %dma_start3A_62 = tpu.memref_squeeze %dma_start3A_61 : memref<1x128xi32, #tpu.memory_space<vmem>> -> memref<128xi32, #tpu.memory_space<vmem>>
      %dma_start3A_63 = arith.constant 0 : i32
      %dma_start3A_64 = tpu.memref_slice %arg3[%add3A_50, %dma_start3A_63] : memref<2528x128xi32, #tpu.memory_space<hbm>> -> memref<1x128xi32, #tpu.memory_space<hbm>>
      %dma_start3A_65 = tpu.memref_squeeze %dma_start3A_64 : memref<1x128xi32, #tpu.memory_space<hbm>> -> memref<128xi32, #tpu.memory_space<hbm>>
      tpu.enqueue_dma source(%dma_start3A_65 : memref<128xi32, #tpu.memory_space<hbm>>) target(%dma_start3A_62 : memref<128xi32, #tpu.memory_space<vmem>>) target_semaphore(%dma_start3A_59 : memref<!tpu.dma_semaphore, #tpu.memory_space<semaphore_mem>>)
      %add3A_66 = arith.constant 1 : i32
      %add3A_67 = arith.addi %select_n3A_10, %add3A_66 : i32
      %dma_start3A_68 = arith.constant 1 : i32
      %dma_start3A_69 = arith.constant 1 : i32
      %dma_start3A_70 = arith.constant 0 : i32
      %dma_start3A_71 = tpu.memref_slice %arg7[%dma_start3A_68, %dma_start3A_70] : memref<2x128xi32, #tpu.memory_space<vmem>> -> memref<1x128xi32, #tpu.memory_space<vmem>>
      %dma_start3A_72 = tpu.memref_squeeze %dma_start3A_71 : memref<1x128xi32, #tpu.memory_space<vmem>> -> memref<128xi32, #tpu.memory_space<vmem>>
      %dma_start3A_73 = arith.constant 0 : i32
      %dma_start3A_74 = tpu.memref_slice %arg4[%add3A_67, %dma_start3A_73] : memref<2528x128xi32, #tpu.memory_space<hbm>> -> memref<1x128xi32, #tpu.memory_space<hbm>>
      %dma_start3A_75 = tpu.memref_squeeze %dma_start3A_74 : memref<1x128xi32, #tpu.memory_space<hbm>> -> memref<128xi32, #tpu.memory_space<hbm>>
      %dma_start3A_76 = tpu.memref_slice %arg11[%dma_start3A_69] : memref<2x!tpu.dma_semaphore, #tpu.memory_space<semaphore_mem>> -> memref<1x!tpu.dma_semaphore, #tpu.memory_space<semaphore_mem>>
      %dma_start3A_77 = tpu.memref_squeeze %dma_start3A_76 : memref<1x!tpu.dma_semaphore, #tpu.memory_space<semaphore_mem>> -> memref<!tpu.dma_semaphore, #tpu.memory_space<semaphore_mem>>
      %dma_start3A_78 = arith.constant 0 : i32
      %dma_start3A_79 = tpu.memref_slice %arg7[%dma_start3A_68, %dma_start3A_78] : memref<2x128xi32, #tpu.memory_space<vmem>> -> memref<1x128xi32, #tpu.memory_space<vmem>>
      %dma_start3A_80 = tpu.memref_squeeze %dma_start3A_79 : memref<1x128xi32, #tpu.memory_space<vmem>> -> memref<128xi32, #tpu.memory_space<vmem>>
      %dma_start3A_81 = arith.constant 0 : i32
      %dma_start3A_82 = tpu.memref_slice %arg4[%add3A_67, %dma_start3A_81] : memref<2528x128xi32, #tpu.memory_space<hbm>> -> memref<1x128xi32, #tpu.memory_space<hbm>>
      %dma_start3A_83 = tpu.memref_squeeze %dma_start3A_82 : memref<1x128xi32, #tpu.memory_space<hbm>> -> memref<128xi32, #tpu.memory_space<hbm>>
      tpu.enqueue_dma source(%dma_start3A_83 : memref<128xi32, #tpu.memory_space<hbm>>) target(%dma_start3A_80 : memref<128xi32, #tpu.memory_space<vmem>>) target_semaphore(%dma_start3A_77 : memref<!tpu.dma_semaphore, #tpu.memory_space<semaphore_mem>>)
    } else {
    }
    %gt3A_37 = arith.constant 0 : i32
    %gt3A_38 = arith.cmpi sgt, %select_n3A, %gt3A_37 : i32
    %convert_element_type3A_39 = arith.extui %gt3A_38 : i1 to i32
    %cond3A_40 = arith.constant 0 : i32
    %cond3A_41 = arith.cmpi ne, %convert_element_type3A_39, %cond3A_40 : i32
    scf.if %cond3A_41 {
      %add3A_49 = arith.constant 0 : i32
      %add3A_50 = arith.addi %select_n3A_10, %add3A_49 : i32
      %dma_wait3A = arith.constant 0 : i32
      %dma_wait3A_51 = arith.constant 0 : i32
      %dma_wait3A_52 = arith.constant 0 : i32
      %dma_wait3A_53 = tpu.memref_slice %arg6[%dma_wait3A, %dma_wait3A_52] : memref<2x128xi32, #tpu.memory_space<vmem>> -> memref<1x128xi32, #tpu.memory_space<vmem>>
      %dma_wait3A_54 = tpu.memref_squeeze %dma_wait3A_53 : memref<1x128xi32, #tpu.memory_space<vmem>> -> memref<128xi32, #tpu.memory_space<vmem>>
      %dma_wait3A_55 = arith.constant 0 : i32
      %dma_wait3A_56 = tpu.memref_slice %arg3[%add3A_50, %dma_wait3A_55] : memref<2528x128xi32, #tpu.memory_space<hbm>> -> memref<1x128xi32, #tpu.memory_space<hbm>>
      %dma_wait3A_57 = tpu.memref_squeeze %dma_wait3A_56 : memref<1x128xi32, #tpu.memory_space<hbm>> -> memref<128xi32, #tpu.memory_space<hbm>>
      %dma_wait3A_58 = tpu.memref_slice %arg10[%dma_wait3A_51] : memref<2x!tpu.dma_semaphore, #tpu.memory_space<semaphore_mem>> -> memref<1x!tpu.dma_semaphore, #tpu.memory_space<semaphore_mem>>
      %dma_wait3A_59 = tpu.memref_squeeze %dma_wait3A_58 : memref<1x!tpu.dma_semaphore, #tpu.memory_space<semaphore_mem>> -> memref<!tpu.dma_semaphore, #tpu.memory_space<semaphore_mem>>
      %dma_wait3A_60 = arith.constant 0 : i32
      %dma_wait3A_61 = tpu.memref_slice %arg6[%dma_wait3A, %dma_wait3A_60] : memref<2x128xi32, #tpu.memory_space<vmem>> -> memref<1x128xi32, #tpu.memory_space<vmem>>
      %dma_wait3A_62 = tpu.memref_squeeze %dma_wait3A_61 : memref<1x128xi32, #tpu.memory_space<vmem>> -> memref<128xi32, #tpu.memory_space<vmem>>
      %dma_wait3A_63 = arith.constant 0 : i32
      %dma_wait3A_64 = tpu.memref_slice %arg3[%add3A_50, %dma_wait3A_63] : memref<2528x128xi32, #tpu.memory_space<hbm>> -> memref<1x128xi32, #tpu.memory_space<hbm>>
      %dma_wait3A_65 = tpu.memref_squeeze %dma_wait3A_64 : memref<1x128xi32, #tpu.memory_space<hbm>> -> memref<128xi32, #tpu.memory_space<hbm>>
      tpu.wait_dma2 semaphore(%dma_wait3A_59 : memref<!tpu.dma_semaphore, #tpu.memory_space<semaphore_mem>>) src(%dma_wait3A_65 : memref<128xi32, #tpu.memory_space<hbm>>) dst(%dma_wait3A_62 : memref<128xi32, #tpu.memory_space<vmem>>)
      %dma_start3A = arith.constant 0 : i32
      %dma_start3A_66 = arith.constant 0 : i32
      %dma_start3A_67 = arith.constant 0 : i32
      %dma_start3A_68 = arith.constant 0 : i32
      %dma_start3A_69 = arith.constant 0 : i32
      %dma_start3A_70 = tpu.memref_slice %arg8[%dma_start3A_66, %dma_start3A_68, %dma_start3A_69] : memref<2x128x128xf32, #tpu.memory_space<vmem>> -> memref<1x128x128xf32, #tpu.memory_space<vmem>>
      %dma_start3A_71 = tpu.memref_squeeze %dma_start3A_70 : memref<1x128x128xf32, #tpu.memory_space<vmem>> -> memref<128x128xf32, #tpu.memory_space<vmem>>
      %dma_start3A_72 = arith.constant 0 : i32
      %dma_start3A_73 = tpu.memref_slice %arg6[%dma_start3A, %dma_start3A_72] : memref<2x128xi32, #tpu.memory_space<vmem>> -> memref<1x128xi32, #tpu.memory_space<vmem>>
      %dma_start3A_74 = tpu.memref_squeeze %dma_start3A_73 : memref<1x128xi32, #tpu.memory_space<vmem>> -> memref<128xi32, #tpu.memory_space<vmem>>
      %dma_start3A_75 = arith.constant 0 : i32
      %dma_start3A_76 = arith.constant 0 : i32
      %dma_start3A_77 = tpu.memref_slice %arg2[%dma_start3A_75, %dma_start3A_76] : memref<10000x128xf32, #tpu.memory_space<hbm>> -> memref<10000x128xf32, #tpu.memory_space<hbm>>
      %dma_start3A_78 = tpu.memref_slice %arg12[%dma_start3A_67] : memref<2x!tpu.dma_semaphore, #tpu.memory_space<semaphore_mem>> -> memref<1x!tpu.dma_semaphore, #tpu.memory_space<semaphore_mem>>
      %dma_start3A_79 = tpu.memref_squeeze %dma_start3A_78 : memref<1x!tpu.dma_semaphore, #tpu.memory_space<semaphore_mem>> -> memref<!tpu.dma_semaphore, #tpu.memory_space<semaphore_mem>>
      tpu.enqueue_indirect_dma source(%dma_start3A_77 : memref<10000x128xf32, #tpu.memory_space<hbm>>) target(%dma_start3A_71 : memref<128x128xf32, #tpu.memory_space<vmem>>) offsets(%dma_start3A_74 : memref<128xi32, #tpu.memory_space<vmem>>) semaphore(%dma_start3A_79 : memref<!tpu.dma_semaphore, #tpu.memory_space<semaphore_mem>>)
    } else {
    }
    %scan3A_42 = arith.constant 0 : i32
    %scan3A_43 = arith.constant 0 : i32
    %scan3A_44 = arith.constant 137 : i32
    %scan3A_45 = arith.addi %scan3A_43, %scan3A_44 : i32
    %scan3A_46 = arith.constant 1 : i32
    scf.for %scan3A_49 = %scan3A_43 to %scan3A_45 step %scan3A_46  : i32 {
      %jit3A_50 = arith.constant 2 : i32
      %eq3A_51 = arith.constant 0 : i32
      %eq3A_52 = arith.cmpi eq, %jit3A_50, %eq3A_51 : i32
      %jit3A_53 = arith.constant 1 : i32
      %select_n3A_54 = arith.select %eq3A_52, %jit3A_53, %jit3A_50 : i32
      %rem3A = arith.remsi %scan3A_49, %select_n3A_54 : i32
      %ne3A = arith.constant 0 : i32
      %ne3A_55 = arith.cmpi ne, %rem3A, %ne3A : i32
      %lt3A = arith.constant 0 : i32
      %lt3A_56 = arith.cmpi slt, %rem3A, %lt3A : i32
      %lt3A_57 = arith.constant 0 : i32
      %lt3A_58 = arith.cmpi slt, %select_n3A_54, %lt3A_57 : i32
      %ne3A_59 = arith.xori %lt3A_56, %lt3A_58 : i1
      %and3A = arith.andi %ne3A_59, %ne3A_55 : i1
      %add3A_60 = arith.addi %rem3A, %select_n3A_54 : i32
      %select_n3A_61 = arith.select %and3A, %add3A_60, %rem3A : i32
      %add3A_62 = arith.constant 1 : i32
      %add3A_63 = arith.addi %scan3A_49, %add3A_62 : i32
      %lt3A_64 = arith.cmpi slt, %add3A_63, %select_n3A : i32
      %convert_element_type3A_65 = arith.extui %lt3A_64 : i1 to i32
      %cond3A_66 = arith.constant 0 : i32
      %cond3A_67 = arith.cmpi ne, %convert_element_type3A_65, %cond3A_66 : i32
      scf.if %cond3A_67 {
        %add3A_88 = arith.constant 1 : i32
        %add3A_89 = arith.addi %scan3A_49, %add3A_88 : i32
        %sub3A = arith.constant 1 : i32
        %sub3A_90 = arith.subi %sub3A, %select_n3A_61 : i32
        %add3A_91 = arith.addi %select_n3A_10, %add3A_89 : i32
        %dma_wait3A = arith.constant 0 : i32
        %dma_wait3A_92 = tpu.memref_slice %arg6[%sub3A_90, %dma_wait3A] : memref<2x128xi32, #tpu.memory_space<vmem>> -> memref<1x128xi32, #tpu.memory_space<vmem>>
        %dma_wait3A_93 = tpu.memref_squeeze %dma_wait3A_92 : memref<1x128xi32, #tpu.memory_space<vmem>> -> memref<128xi32, #tpu.memory_space<vmem>>
        %dma_wait3A_94 = arith.constant 0 : i32
        %dma_wait3A_95 = tpu.memref_slice %arg3[%add3A_91, %dma_wait3A_94] : memref<2528x128xi32, #tpu.memory_space<hbm>> -> memref<1x128xi32, #tpu.memory_space<hbm>>
        %dma_wait3A_96 = tpu.memref_squeeze %dma_wait3A_95 : memref<1x128xi32, #tpu.memory_space<hbm>> -> memref<128xi32, #tpu.memory_space<hbm>>
        %dma_wait3A_97 = tpu.memref_slice %arg10[%sub3A_90] : memref<2x!tpu.dma_semaphore, #tpu.memory_space<semaphore_mem>> -> memref<1x!tpu.dma_semaphore, #tpu.memory_space<semaphore_mem>>
        %dma_wait3A_98 = tpu.memref_squeeze %dma_wait3A_97 : memref<1x!tpu.dma_semaphore, #tpu.memory_space<semaphore_mem>> -> memref<!tpu.dma_semaphore, #tpu.memory_space<semaphore_mem>>
        %dma_wait3A_99 = arith.constant 0 : i32
        %dma_wait3A_100 = tpu.memref_slice %arg6[%sub3A_90, %dma_wait3A_99] : memref<2x128xi32, #tpu.memory_space<vmem>> -> memref<1x128xi32, #tpu.memory_space<vmem>>
        %dma_wait3A_101 = tpu.memref_squeeze %dma_wait3A_100 : memref<1x128xi32, #tpu.memory_space<vmem>> -> memref<128xi32, #tpu.memory_space<vmem>>
        %dma_wait3A_102 = arith.constant 0 : i32
        %dma_wait3A_103 = tpu.memref_slice %arg3[%add3A_91, %dma_wait3A_102] : memref<2528x128xi32, #tpu.memory_space<hbm>> -> memref<1x128xi32, #tpu.memory_space<hbm>>
        %dma_wait3A_104 = tpu.memref_squeeze %dma_wait3A_103 : memref<1x128xi32, #tpu.memory_space<hbm>> -> memref<128xi32, #tpu.memory_space<hbm>>
        tpu.wait_dma2 semaphore(%dma_wait3A_98 : memref<!tpu.dma_semaphore, #tpu.memory_space<semaphore_mem>>) src(%dma_wait3A_104 : memref<128xi32, #tpu.memory_space<hbm>>) dst(%dma_wait3A_101 : memref<128xi32, #tpu.memory_space<vmem>>)
        %sub3A_105 = arith.constant 1 : i32
        %sub3A_106 = arith.subi %sub3A_105, %select_n3A_61 : i32
        %dma_start3A = arith.constant 0 : i32
        %dma_start3A_107 = arith.constant 0 : i32
        %dma_start3A_108 = tpu.memref_slice %arg8[%sub3A_106, %dma_start3A, %dma_start3A_107] : memref<2x128x128xf32, #tpu.memory_space<vmem>> -> memref<1x128x128xf32, #tpu.memory_space<vmem>>
        %dma_start3A_109 = tpu.memref_squeeze %dma_start3A_108 : memref<1x128x128xf32, #tpu.memory_space<vmem>> -> memref<128x128xf32, #tpu.memory_space<vmem>>
        %dma_start3A_110 = arith.constant 0 : i32
        %dma_start3A_111 = tpu.memref_slice %arg6[%sub3A_106, %dma_start3A_110] : memref<2x128xi32, #tpu.memory_space<vmem>> -> memref<1x128xi32, #tpu.memory_space<vmem>>
        %dma_start3A_112 = tpu.memref_squeeze %dma_start3A_111 : memref<1x128xi32, #tpu.memory_space<vmem>> -> memref<128xi32, #tpu.memory_space<vmem>>
        %dma_start3A_113 = arith.constant 0 : i32
        %dma_start3A_114 = arith.constant 0 : i32
        %dma_start3A_115 = tpu.memref_slice %arg2[%dma_start3A_113, %dma_start3A_114] : memref<10000x128xf32, #tpu.memory_space<hbm>> -> memref<10000x128xf32, #tpu.memory_space<hbm>>
        %dma_start3A_116 = tpu.memref_slice %arg12[%sub3A_106] : memref<2x!tpu.dma_semaphore, #tpu.memory_space<semaphore_mem>> -> memref<1x!tpu.dma_semaphore, #tpu.memory_space<semaphore_mem>>
        %dma_start3A_117 = tpu.memref_squeeze %dma_start3A_116 : memref<1x!tpu.dma_semaphore, #tpu.memory_space<semaphore_mem>> -> memref<!tpu.dma_semaphore, #tpu.memory_space<semaphore_mem>>
        tpu.enqueue_indirect_dma source(%dma_start3A_115 : memref<10000x128xf32, #tpu.memory_space<hbm>>) target(%dma_start3A_109 : memref<128x128xf32, #tpu.memory_space<vmem>>) offsets(%dma_start3A_112 : memref<128xi32, #tpu.memory_space<vmem>>) semaphore(%dma_start3A_117 : memref<!tpu.dma_semaphore, #tpu.memory_space<semaphore_mem>>)
      } else {
      }
      %lt3A_68 = arith.cmpi slt, %scan3A_49, %select_n3A : i32
      %convert_element_type3A_69 = arith.extui %lt3A_68 : i1 to i32
      %cond3A_70 = arith.constant 0 : i32
      %cond3A_71 = arith.cmpi ne, %convert_element_type3A_69, %cond3A_70 : i32
      scf.if %cond3A_71 {
        %dma_wait3A = arith.constant 0 : i32
        %dma_wait3A_88 = arith.constant 0 : i32
        %dma_wait3A_89 = tpu.memref_slice %arg8[%select_n3A_61, %dma_wait3A, %dma_wait3A_88] : memref<2x128x128xf32, #tpu.memory_space<vmem>> -> memref<1x128x128xf32, #tpu.memory_space<vmem>>
        %dma_wait3A_90 = tpu.memref_squeeze %dma_wait3A_89 : memref<1x128x128xf32, #tpu.memory_space<vmem>> -> memref<128x128xf32, #tpu.memory_space<vmem>>
        %dma_wait3A_91 = arith.constant 0 : i32
        %dma_wait3A_92 = tpu.memref_slice %arg6[%select_n3A_61, %dma_wait3A_91] : memref<2x128xi32, #tpu.memory_space<vmem>> -> memref<1x128xi32, #tpu.memory_space<vmem>>
        %dma_wait3A_93 = tpu.memref_squeeze %dma_wait3A_92 : memref<1x128xi32, #tpu.memory_space<vmem>> -> memref<128xi32, #tpu.memory_space<vmem>>
        %dma_wait3A_94 = arith.constant 0 : i32
        %dma_wait3A_95 = arith.constant 0 : i32
        %dma_wait3A_96 = tpu.memref_slice %arg2[%dma_wait3A_94, %dma_wait3A_95] : memref<10000x128xf32, #tpu.memory_space<hbm>> -> memref<10000x128xf32, #tpu.memory_space<hbm>>
        %dma_wait3A_97 = tpu.memref_slice %arg12[%select_n3A_61] : memref<2x!tpu.dma_semaphore, #tpu.memory_space<semaphore_mem>> -> memref<1x!tpu.dma_semaphore, #tpu.memory_space<semaphore_mem>>
        %dma_wait3A_98 = tpu.memref_squeeze %dma_wait3A_97 : memref<1x!tpu.dma_semaphore, #tpu.memory_space<semaphore_mem>> -> memref<!tpu.dma_semaphore, #tpu.memory_space<semaphore_mem>>
        tpu.wait_indirect_dma semaphore(%dma_wait3A_98 : memref<!tpu.dma_semaphore, #tpu.memory_space<semaphore_mem>>) src(%dma_wait3A_96 : memref<10000x128xf32, #tpu.memory_space<hbm>>) dst(%dma_wait3A_90 : memref<128x128xf32, #tpu.memory_space<vmem>>)
      } else {
      }
      %add3A_72 = arith.constant 2 : i32
      %add3A_73 = arith.addi %scan3A_49, %add3A_72 : i32
      %lt3A_74 = arith.cmpi slt, %add3A_73, %select_n3A : i32
      %convert_element_type3A_75 = arith.extui %lt3A_74 : i1 to i32
      %cond3A_76 = arith.constant 0 : i32
      %cond3A_77 = arith.cmpi ne, %convert_element_type3A_75, %cond3A_76 : i32
      scf.if %cond3A_77 {
        %add3A_88 = arith.constant 2 : i32
        %add3A_89 = arith.addi %scan3A_49, %add3A_88 : i32
        %add3A_90 = arith.addi %select_n3A_10, %add3A_89 : i32
        %dma_start3A = arith.constant 0 : i32
        %dma_start3A_91 = tpu.memref_slice %arg6[%select_n3A_61, %dma_start3A] : memref<2x128xi32, #tpu.memory_space<vmem>> -> memref<1x128xi32, #tpu.memory_space<vmem>>
        %dma_start3A_92 = tpu.memref_squeeze %dma_start3A_91 : memref<1x128xi32, #tpu.memory_space<vmem>> -> memref<128xi32, #tpu.memory_space<vmem>>
        %dma_start3A_93 = arith.constant 0 : i32
        %dma_start3A_94 = tpu.memref_slice %arg3[%add3A_90, %dma_start3A_93] : memref<2528x128xi32, #tpu.memory_space<hbm>> -> memref<1x128xi32, #tpu.memory_space<hbm>>
        %dma_start3A_95 = tpu.memref_squeeze %dma_start3A_94 : memref<1x128xi32, #tpu.memory_space<hbm>> -> memref<128xi32, #tpu.memory_space<hbm>>
        %dma_start3A_96 = tpu.memref_slice %arg10[%select_n3A_61] : memref<2x!tpu.dma_semaphore, #tpu.memory_space<semaphore_mem>> -> memref<1x!tpu.dma_semaphore, #tpu.memory_space<semaphore_mem>>
        %dma_start3A_97 = tpu.memref_squeeze %dma_start3A_96 : memref<1x!tpu.dma_semaphore, #tpu.memory_space<semaphore_mem>> -> memref<!tpu.dma_semaphore, #tpu.memory_space<semaphore_mem>>
        %dma_start3A_98 = arith.constant 0 : i32
        %dma_start3A_99 = tpu.memref_slice %arg6[%select_n3A_61, %dma_start3A_98] : memref<2x128xi32, #tpu.memory_space<vmem>> -> memref<1x128xi32, #tpu.memory_space<vmem>>
        %dma_start3A_100 = tpu.memref_squeeze %dma_start3A_99 : memref<1x128xi32, #tpu.memory_space<vmem>> -> memref<128xi32, #tpu.memory_space<vmem>>
        %dma_start3A_101 = arith.constant 0 : i32
        %dma_start3A_102 = tpu.memref_slice %arg3[%add3A_90, %dma_start3A_101] : memref<2528x128xi32, #tpu.memory_space<hbm>> -> memref<1x128xi32, #tpu.memory_space<hbm>>
        %dma_start3A_103 = tpu.memref_squeeze %dma_start3A_102 : memref<1x128xi32, #tpu.memory_space<hbm>> -> memref<128xi32, #tpu.memory_space<hbm>>
        tpu.enqueue_dma source(%dma_start3A_103 : memref<128xi32, #tpu.memory_space<hbm>>) target(%dma_start3A_100 : memref<128xi32, #tpu.memory_space<vmem>>) target_semaphore(%dma_start3A_97 : memref<!tpu.dma_semaphore, #tpu.memory_space<semaphore_mem>>)
      } else {
      }
      %lt3A_78 = arith.cmpi slt, %scan3A_49, %select_n3A : i32
      %convert_element_type3A_79 = arith.extui %lt3A_78 : i1 to i32
      %cond3A_80 = arith.constant 0 : i32
      %cond3A_81 = arith.cmpi ne, %convert_element_type3A_79, %cond3A_80 : i32
      scf.if %cond3A_81 {
        %add3A_88 = arith.addi %select_n3A_10, %scan3A_49 : i32
        %dma_wait3A = arith.constant 0 : i32
        %dma_wait3A_89 = tpu.memref_slice %arg7[%select_n3A_61, %dma_wait3A] : memref<2x128xi32, #tpu.memory_space<vmem>> -> memref<1x128xi32, #tpu.memory_space<vmem>>
        %dma_wait3A_90 = tpu.memref_squeeze %dma_wait3A_89 : memref<1x128xi32, #tpu.memory_space<vmem>> -> memref<128xi32, #tpu.memory_space<vmem>>
        %dma_wait3A_91 = arith.constant 0 : i32
        %dma_wait3A_92 = tpu.memref_slice %arg4[%add3A_88, %dma_wait3A_91] : memref<2528x128xi32, #tpu.memory_space<hbm>> -> memref<1x128xi32, #tpu.memory_space<hbm>>
        %dma_wait3A_93 = tpu.memref_squeeze %dma_wait3A_92 : memref<1x128xi32, #tpu.memory_space<hbm>> -> memref<128xi32, #tpu.memory_space<hbm>>
        %dma_wait3A_94 = tpu.memref_slice %arg11[%select_n3A_61] : memref<2x!tpu.dma_semaphore, #tpu.memory_space<semaphore_mem>> -> memref<1x!tpu.dma_semaphore, #tpu.memory_space<semaphore_mem>>
        %dma_wait3A_95 = tpu.memref_squeeze %dma_wait3A_94 : memref<1x!tpu.dma_semaphore, #tpu.memory_space<semaphore_mem>> -> memref<!tpu.dma_semaphore, #tpu.memory_space<semaphore_mem>>
        %dma_wait3A_96 = arith.constant 0 : i32
        %dma_wait3A_97 = tpu.memref_slice %arg7[%select_n3A_61, %dma_wait3A_96] : memref<2x128xi32, #tpu.memory_space<vmem>> -> memref<1x128xi32, #tpu.memory_space<vmem>>
        %dma_wait3A_98 = tpu.memref_squeeze %dma_wait3A_97 : memref<1x128xi32, #tpu.memory_space<vmem>> -> memref<128xi32, #tpu.memory_space<vmem>>
        %dma_wait3A_99 = arith.constant 0 : i32
        %dma_wait3A_100 = tpu.memref_slice %arg4[%add3A_88, %dma_wait3A_99] : memref<2528x128xi32, #tpu.memory_space<hbm>> -> memref<1x128xi32, #tpu.memory_space<hbm>>
        %dma_wait3A_101 = tpu.memref_squeeze %dma_wait3A_100 : memref<1x128xi32, #tpu.memory_space<hbm>> -> memref<128xi32, #tpu.memory_space<hbm>>
        tpu.wait_dma2 semaphore(%dma_wait3A_95 : memref<!tpu.dma_semaphore, #tpu.memory_space<semaphore_mem>>) src(%dma_wait3A_101 : memref<128xi32, #tpu.memory_space<hbm>>) dst(%dma_wait3A_98 : memref<128xi32, #tpu.memory_space<vmem>>)
        "tpu.region"() ({
          %run_scoped3A_102 = tpu.sem_alloc : memref<!tpu.dma_semaphore, #tpu.memory_space<semaphore_mem>>
          %dma_start3A = arith.constant 0 : i32
          %dma_start3A_103 = arith.constant 0 : i32
          %dma_start3A_104 = tpu.memref_slice %arg8[%select_n3A_61, %dma_start3A, %dma_start3A_103] : memref<2x128x128xf32, #tpu.memory_space<vmem>> -> memref<1x128x128xf32, #tpu.memory_space<vmem>>
          %dma_start3A_105 = tpu.memref_squeeze %dma_start3A_104 : memref<1x128x128xf32, #tpu.memory_space<vmem>> -> memref<128x128xf32, #tpu.memory_space<vmem>>
          %dma_start3A_106 = arith.constant 0 : i32
          %dma_start3A_107 = tpu.memref_slice %arg7[%select_n3A_61, %dma_start3A_106] : memref<2x128xi32, #tpu.memory_space<vmem>> -> memref<1x128xi32, #tpu.memory_space<vmem>>
          %dma_start3A_108 = tpu.memref_squeeze %dma_start3A_107 : memref<1x128xi32, #tpu.memory_space<vmem>> -> memref<128xi32, #tpu.memory_space<vmem>>
          %dma_start3A_109 = arith.constant 0 : i32
          %dma_start3A_110 = arith.constant 0 : i32
          %dma_start3A_111 = tpu.memref_slice %arg9[%dma_start3A_109, %dma_start3A_110] : memref<10112x128xf32, #tpu.memory_space<vmem_shared>> -> memref<10112x128xf32, #tpu.memory_space<vmem_shared>>
          tpu.enqueue_indirect_dma source(%dma_start3A_105 : memref<128x128xf32, #tpu.memory_space<vmem>>) target(%dma_start3A_111 : memref<10112x128xf32, #tpu.memory_space<vmem_shared>>) offsets(%dma_start3A_108 : memref<128xi32, #tpu.memory_space<vmem>>) semaphore(%run_scoped3A_102 : memref<!tpu.dma_semaphore, #tpu.memory_space<semaphore_mem>>) {add = true}
          %dma_wait3A_112 = arith.constant 0 : i32
          %dma_wait3A_113 = arith.constant 0 : i32
          %dma_wait3A_114 = tpu.memref_slice %arg8[%select_n3A_61, %dma_wait3A_112, %dma_wait3A_113] : memref<2x128x128xf32, #tpu.memory_space<vmem>> -> memref<1x128x128xf32, #tpu.memory_space<vmem>>
          %dma_wait3A_115 = tpu.memref_squeeze %dma_wait3A_114 : memref<1x128x128xf32, #tpu.memory_space<vmem>> -> memref<128x128xf32, #tpu.memory_space<vmem>>
          %dma_wait3A_116 = arith.constant 0 : i32
          %dma_wait3A_117 = tpu.memref_slice %arg7[%select_n3A_61, %dma_wait3A_116] : memref<2x128xi32, #tpu.memory_space<vmem>> -> memref<1x128xi32, #tpu.memory_space<vmem>>
          %dma_wait3A_118 = tpu.memref_squeeze %dma_wait3A_117 : memref<1x128xi32, #tpu.memory_space<vmem>> -> memref<128xi32, #tpu.memory_space<vmem>>
          %dma_wait3A_119 = arith.constant 0 : i32
          %dma_wait3A_120 = arith.constant 0 : i32
          %dma_wait3A_121 = tpu.memref_slice %arg9[%dma_wait3A_119, %dma_wait3A_120] : memref<10112x128xf32, #tpu.memory_space<vmem_shared>> -> memref<10112x128xf32, #tpu.memory_space<vmem_shared>>
          tpu.wait_indirect_dma semaphore(%run_scoped3A_102 : memref<!tpu.dma_semaphore, #tpu.memory_space<semaphore_mem>>) src(%dma_wait3A_115 : memref<128x128xf32, #tpu.memory_space<vmem>>) dst(%dma_wait3A_121 : memref<10112x128xf32, #tpu.memory_space<vmem_shared>>)
          tpu.yield
        }) : () -> ()
      } else {
      }
      %add3A_82 = arith.constant 2 : i32
      %add3A_83 = arith.addi %scan3A_49, %add3A_82 : i32
      %lt3A_84 = arith.cmpi slt, %add3A_83, %select_n3A : i32
      %convert_element_type3A_85 = arith.extui %lt3A_84 : i1 to i32
      %cond3A_86 = arith.constant 0 : i32
      %cond3A_87 = arith.cmpi ne, %convert_element_type3A_85, %cond3A_86 : i32
      scf.if %cond3A_87 {
        %add3A_88 = arith.constant 2 : i32
        %add3A_89 = arith.addi %scan3A_49, %add3A_88 : i32
        %add3A_90 = arith.addi %select_n3A_10, %add3A_89 : i32
        %dma_start3A = arith.constant 0 : i32
        %dma_start3A_91 = tpu.memref_slice %arg7[%select_n3A_61, %dma_start3A] : memref<2x128xi32, #tpu.memory_space<vmem>> -> memref<1x128xi32, #tpu.memory_space<vmem>>
        %dma_start3A_92 = tpu.memref_squeeze %dma_start3A_91 : memref<1x128xi32, #tpu.memory_space<vmem>> -> memref<128xi32, #tpu.memory_space<vmem>>
        %dma_start3A_93 = arith.constant 0 : i32
        %dma_start3A_94 = tpu.memref_slice %arg4[%add3A_90, %dma_start3A_93] : memref<2528x128xi32, #tpu.memory_space<hbm>> -> memref<1x128xi32, #tpu.memory_space<hbm>>
        %dma_start3A_95 = tpu.memref_squeeze %dma_start3A_94 : memref<1x128xi32, #tpu.memory_space<hbm>> -> memref<128xi32, #tpu.memory_space<hbm>>
        %dma_start3A_96 = tpu.memref_slice %arg11[%select_n3A_61] : memref<2x!tpu.dma_semaphore, #tpu.memory_space<semaphore_mem>> -> memref<1x!tpu.dma_semaphore, #tpu.memory_space<semaphore_mem>>
        %dma_start3A_97 = tpu.memref_squeeze %dma_start3A_96 : memref<1x!tpu.dma_semaphore, #tpu.memory_space<semaphore_mem>> -> memref<!tpu.dma_semaphore, #tpu.memory_space<semaphore_mem>>
        %dma_start3A_98 = arith.constant 0 : i32
        %dma_start3A_99 = tpu.memref_slice %arg7[%select_n3A_61, %dma_start3A_98] : memref<2x128xi32, #tpu.memory_space<vmem>> -> memref<1x128xi32, #tpu.memory_space<vmem>>
        %dma_start3A_100 = tpu.memref_squeeze %dma_start3A_99 : memref<1x128xi32, #tpu.memory_space<vmem>> -> memref<128xi32, #tpu.memory_space<vmem>>
        %dma_start3A_101 = arith.constant 0 : i32
        %dma_start3A_102 = tpu.memref_slice %arg4[%add3A_90, %dma_start3A_101] : memref<2528x128xi32, #tpu.memory_space<hbm>> -> memref<1x128xi32, #tpu.memory_space<hbm>>
        %dma_start3A_103 = tpu.memref_squeeze %dma_start3A_102 : memref<1x128xi32, #tpu.memory_space<hbm>> -> memref<128xi32, #tpu.memory_space<hbm>>
        tpu.enqueue_dma source(%dma_start3A_103 : memref<128xi32, #tpu.memory_space<hbm>>) target(%dma_start3A_100 : memref<128xi32, #tpu.memory_space<vmem>>) target_semaphore(%dma_start3A_97 : memref<!tpu.dma_semaphore, #tpu.memory_space<semaphore_mem>>)
      } else {
      }
    }
    %scan3A_47 = arith.constant 137 : i32
    %barrier3A_48 = arith.constant 0 : index
    tpu.barrier barrier_id(%barrier3A_48)
    "tpu.region"() ({
      %run_scoped3A_49 = tpu.sem_alloc : memref<!tpu.dma_semaphore, #tpu.memory_space<semaphore_mem>>
      %dma_start3A = arith.constant 0 : i32
      %dma_start3A_50 = tpu.memref_slice %arg5[%arg0, %mul3A_0, %dma_start3A] : memref<2x10112x128xf32, #tpu.memory_space<hbm>> -> memref<1x632x128xf32, #tpu.memory_space<hbm>>
      %dma_start3A_51 = tpu.memref_squeeze %dma_start3A_50 : memref<1x632x128xf32, #tpu.memory_space<hbm>> -> memref<632x128xf32, #tpu.memory_space<hbm>>
      %dma_start3A_52 = arith.constant 0 : i32
      %dma_start3A_53 = tpu.memref_slice %arg9[%mul3A_0, %dma_start3A_52] : memref<10112x128xf32, #tpu.memory_space<vmem_shared>> -> memref<632x128xf32, #tpu.memory_space<vmem_shared>>
      tpu.enqueue_dma source(%dma_start3A_53 : memref<632x128xf32, #tpu.memory_space<vmem_shared>>) target(%dma_start3A_51 : memref<632x128xf32, #tpu.memory_space<hbm>>) target_semaphore(%run_scoped3A_49 : memref<!tpu.dma_semaphore, #tpu.memory_space<semaphore_mem>>)
      %dma_wait3A = arith.constant 0 : i32
      %dma_wait3A_54 = tpu.memref_slice %arg5[%arg0, %mul3A_0, %dma_wait3A] : memref<2x10112x128xf32, #tpu.memory_space<hbm>> -> memref<1x632x128xf32, #tpu.memory_space<hbm>>
      %dma_wait3A_55 = tpu.memref_squeeze %dma_wait3A_54 : memref<1x632x128xf32, #tpu.memory_space<hbm>> -> memref<632x128xf32, #tpu.memory_space<hbm>>
      %dma_wait3A_56 = arith.constant 0 : i32
      %dma_wait3A_57 = tpu.memref_slice %arg9[%mul3A_0, %dma_wait3A_56] : memref<10112x128xf32, #tpu.memory_space<vmem_shared>> -> memref<632x128xf32, #tpu.memory_space<vmem_shared>>
      tpu.wait_dma2 semaphore(%run_scoped3A_49 : memref<!tpu.dma_semaphore, #tpu.memory_space<semaphore_mem>>) src(%dma_wait3A_57 : memref<632x128xf32, #tpu.memory_space<vmem_shared>>) dst(%dma_wait3A_55 : memref<632x128xf32, #tpu.memory_space<hbm>>)
      tpu.yield
    }) : () -> ()
    return
  }
}

module attributes {stable_mosaic.version = 14 : i64} {
  func.func @_node_body(%arg0: i32, %arg1: memref<1000x128xf32, #tpu.memory_space<vmem>>, %arg2: memref<1000x4xf32, #tpu.memory_space<vmem>>, %arg3: memref<128x128xf32, #tpu.memory_space<vmem>>, %arg4: memref<1x128xf32, #tpu.memory_space<vmem>>, %arg5: memref<4x128xf32, #tpu.memory_space<vmem>>, %arg6: memref<1x1xf32, #tpu.memory_space<smem>>, %arg7: memref<1000x128xf32, #tpu.memory_space<vmem>>, %arg8: memref<1000x4xf32, #tpu.memory_space<vmem>>) attributes {dimension_semantics = [#tpu.dimension_semantics<arbitrary>], iteration_bounds = array<i64: 10>, scalar_prefetch = 0 : i64, scratch_operands = 0 : i64, tpu.core_type = #tpu.core_type<tc>, window_params = [{transform_indices = @transform_0, window_bounds = array<i64: 1000, 128>}, {transform_indices = @transform_1, window_bounds = array<i64: 1000, 4>}, {pipeline_mode = #tpu.pipeline_mode<synchronous>, transform_indices = @transform_2, window_bounds = array<i64: 128, 128>}, {pipeline_mode = #tpu.pipeline_mode<synchronous>, transform_indices = @transform_3, window_bounds = array<i64: 1, 128>}, {pipeline_mode = #tpu.pipeline_mode<synchronous>, transform_indices = @transform_4, window_bounds = array<i64: 4, 128>}, {transform_indices = @transform_5, window_bounds = array<i64: 1, 1>}, {transform_indices = @transform_6, window_bounds = array<i64: 1000, 128>}, {transform_indices = @transform_7, window_bounds = array<i64: 1000, 4>}]} {
    %get3A = arith.constant 0 : index
    %get3A_0 = arith.constant 0 : index
    %get3A_1 = vector.load %arg1[%get3A, %get3A_0] : memref<1000x128xf32, #tpu.memory_space<vmem>>, vector<1000x128xf32>
    %get3A_2 = arith.constant 0 : index
    %get3A_3 = arith.constant 0 : index
    %get3A_4 = vector.load %arg3[%get3A_2, %get3A_3] : memref<128x128xf32, #tpu.memory_space<vmem>>, vector<128x128xf32>
    %dot_general3A = arith.constant dense<0.000000e+00> : vector<1000x128xf32>
    %dot_general3A_5 = tpu.matmul %get3A_1, %get3A_4, %dot_general3A {dimension_numbers = #tpu.dot_dimension_numbers<[1], [1], [0], [0], [0, 0, 1, 0], [], []>, transpose_lhs_hint = false} : vector<1000x128xf32>, vector<128x128xf32>, vector<1000x128xf32> -> vector<1000x128xf32>
    %get3A_6 = arith.constant 0 : index
    %get3A_7 = arith.constant 0 : index
    %get3A_8 = vector.load %arg4[%get3A_6, %get3A_7] : memref<1x128xf32, #tpu.memory_space<vmem>>, vector<1x128xf32>
    %add3A = vector.broadcast %get3A_8 : vector<1x128xf32> to vector<1000x128xf32>
    %add3A_9 = arith.addf %dot_general3A_5, %add3A : vector<1000x128xf32>
    %max3A = arith.constant 0.000000e+00 : f32
    %max3A_10 = vector.broadcast %max3A : f32 to vector<1000x128xf32>
    %max3A_11 = arith.maximumf %add3A_9, %max3A_10 : vector<1000x128xf32>
    %swap3A = arith.constant 0 : index
    %swap3A_12 = arith.constant 0 : index
    %swap3A_13 = vector.load %arg7[%swap3A, %swap3A_12] : memref<1000x128xf32, #tpu.memory_space<vmem>>, vector<1000x128xf32>
    tpu.vector_store %arg7[%swap3A, %swap3A_12], %max3A_11 {strides = array<i32>} : memref<1000x128xf32, #tpu.memory_space<vmem>>, vector<1000x128xf32>,
    %get3A_14 = arith.constant 0 : index
    %get3A_15 = arith.constant 0 : index
    %get3A_16 = vector.load %arg5[%get3A_14, %get3A_15] : memref<4x128xf32, #tpu.memory_space<vmem>>, vector<4x128xf32>
    %dot_general3A_17 = arith.constant dense<0.000000e+00> : vector<1000x4xf32>
    %dot_general3A_18 = tpu.matmul %get3A_1, %get3A_16, %dot_general3A_17 {dimension_numbers = #tpu.dot_dimension_numbers<[1], [1], [0], [0], [0, 0, 1, 0], [], []>, transpose_lhs_hint = false} : vector<1000x128xf32>, vector<4x128xf32>, vector<1000x4xf32> -> vector<1000x4xf32>
    %get3A_19 = arith.constant 0 : index
    %get3A_20 = arith.constant 0 : index
    %get3A_21 = memref.load %arg6[%get3A_19, %get3A_20] : memref<1x1xf32, #tpu.memory_space<smem>>
    %add3A_22 = vector.broadcast %get3A_21 : f32 to vector<1000x4xf32>
    %add3A_23 = arith.addf %dot_general3A_18, %add3A_22 : vector<1000x4xf32>
    %max3A_24 = arith.constant 0.000000e+00 : f32
    %max3A_25 = vector.broadcast %max3A_24 : f32 to vector<1000x4xf32>
    %max3A_26 = arith.maximumf %add3A_23, %max3A_25 : vector<1000x4xf32>
    %iota3A = tpu.iota {dimensions = array<i32: 1>} : vector<1000x4xi32>
    %get3A_27 = arith.constant 0 : index
    %get3A_28 = arith.constant 0 : index
    %get3A_29 = vector.load %arg2[%get3A_27, %get3A_28] : memref<1000x4xf32, #tpu.memory_space<vmem>>, vector<1000x4xf32>
    %mul3A = arith.mulf %get3A_29, %max3A_26 : vector<1000x4xf32>
    %eq3A = arith.constant 3 : i32
    %eq3A_30 = vector.broadcast %eq3A : i32 to vector<1000x4xi32>
    %eq3A_31 = arith.cmpi eq, %iota3A, %eq3A_30 : vector<1000x4xi32>
    %jit3A = arith.constant 0.000000e+00 : f32
    %broadcast_in_dim3A = vector.broadcast %jit3A : f32 to vector<1000x4xf32>
    %select_n3A = arith.select %eq3A_31, %max3A_26, %broadcast_in_dim3A : vector<1000x4xi1>, vector<1000x4xf32>
    %add3A_32 = arith.addf %mul3A, %select_n3A : vector<1000x4xf32>
    %swap3A_33 = arith.constant 0 : index
    %swap3A_34 = arith.constant 0 : index
    %swap3A_35 = vector.load %arg8[%swap3A_33, %swap3A_34] : memref<1000x4xf32, #tpu.memory_space<vmem>>, vector<1000x4xf32>
    tpu.vector_store %arg8[%swap3A_33, %swap3A_34], %add3A_32 {strides = array<i32>} : memref<1000x4xf32, #tpu.memory_space<vmem>>, vector<1000x4xf32>,
    return
  }
  func.func @transform_0(%arg0: i32) -> (i32, i32) {
    %c0_i32 = arith.constant 0 : i32
    %c0_i32_0 = arith.constant 0 : i32
    return %arg0, %c0_i32 : i32, i32
  }
  func.func @transform_1(%arg0: i32) -> (i32, i32) {
    %c0_i32 = arith.constant 0 : i32
    %c0_i32_0 = arith.constant 0 : i32
    return %arg0, %c0_i32 : i32, i32
  }
  func.func @transform_2(%arg0: i32) -> (i32, i32) {
    %c0_i32 = arith.constant 0 : i32
    %c0_i32_0 = arith.constant 0 : i32
    %c0_i32_1 = arith.constant 0 : i32
    return %c0_i32, %c0_i32_0 : i32, i32
  }
  func.func @transform_3(%arg0: i32) -> (i32, i32) {
    %c0_i32 = arith.constant 0 : i32
    %c0_i32_0 = arith.constant 0 : i32
    %c0_i32_1 = arith.constant 0 : i32
    return %c0_i32, %c0_i32_0 : i32, i32
  }
  func.func @transform_4(%arg0: i32) -> (i32, i32) {
    %c0_i32 = arith.constant 0 : i32
    %c0_i32_0 = arith.constant 0 : i32
    %c0_i32_1 = arith.constant 0 : i32
    return %c0_i32, %c0_i32_0 : i32, i32
  }
  func.func @transform_5(%arg0: i32) -> (i32, i32) {
    %c0_i32 = arith.constant 0 : i32
    %c0_i32_0 = arith.constant 0 : i32
    %c0_i32_1 = arith.constant 0 : i32
    return %c0_i32, %c0_i32_0 : i32, i32
  }
  func.func @transform_6(%arg0: i32) -> (i32, i32) {
    %c0_i32 = arith.constant 0 : i32
    %c0_i32_0 = arith.constant 0 : i32
    return %arg0, %c0_i32 : i32, i32
  }
  func.func @transform_7(%arg0: i32) -> (i32, i32) {
    %c0_i32 = arith.constant 0 : i32
    %c0_i32_0 = arith.constant 0 : i32
    return %arg0, %c0_i32 : i32, i32
  }
}

module attributes {stable_mosaic.version = 14 : i64} {
  func.func @_combine_body(%arg0: i32, %arg1: memref<1000x128xf32, #tpu.memory_space<vmem>>, %arg2: memref<4x10112xf32, #tpu.memory_space<vmem>>, %arg3: memref<2x1000x128xf32, #tpu.memory_space<vmem>>, %arg4: memref<32x4x10112xf32, #tpu.memory_space<vmem>>, %arg5: memref<1000x128xf32, #tpu.memory_space<vmem>>, %arg6: memref<4x10112xf32, #tpu.memory_space<vmem>>) attributes {dimension_semantics = [#tpu.dimension_semantics<arbitrary>], iteration_bounds = array<i64: 10>, scalar_prefetch = 0 : i64, scratch_operands = 0 : i64, tpu.core_type = #tpu.core_type<tc>, window_params = [{transform_indices = @transform_0, window_bounds = array<i64: 1000, 128>}, {pipeline_mode = #tpu.pipeline_mode<synchronous>, transform_indices = @transform_1, window_bounds = array<i64: 4, 10112>}, {transform_indices = @transform_2, window_bounds = array<i64: 2, 1000, 128>}, {pipeline_mode = #tpu.pipeline_mode<synchronous>, transform_indices = @transform_3, window_bounds = array<i64: 32, 4, 10112>}, {transform_indices = @transform_4, window_bounds = array<i64: 1000, 128>}, {pipeline_mode = #tpu.pipeline_mode<synchronous>, transform_indices = @transform_5, window_bounds = array<i64: 4, 10112>}]} {
    %get3A = arith.constant 0 : index
    %get3A_0 = arith.constant 0 : index
    %get3A_1 = arith.constant 0 : index
    %get3A_2 = vector.load %arg3[%get3A, %get3A_0, %get3A_1] : memref<2x1000x128xf32, #tpu.memory_space<vmem>>, vector<1x1000x128xf32>
    %get3A_3 = vector.shape_cast %get3A_2 : vector<1x1000x128xf32> to vector<1000x128xf32>
    %get3A_4 = arith.constant 1 : index
    %get3A_5 = arith.constant 0 : index
    %get3A_6 = arith.constant 0 : index
    %get3A_7 = vector.load %arg3[%get3A_4, %get3A_5, %get3A_6] : memref<2x1000x128xf32, #tpu.memory_space<vmem>>, vector<1x1000x128xf32>
    %get3A_8 = vector.shape_cast %get3A_7 : vector<1x1000x128xf32> to vector<1000x128xf32>
    %add3A = arith.addf %get3A_3, %get3A_8 : vector<1000x128xf32>
    %get3A_9 = arith.constant 0 : index
    %get3A_10 = arith.constant 0 : index
    %get3A_11 = vector.load %arg1[%get3A_9, %get3A_10] : memref<1000x128xf32, #tpu.memory_space<vmem>>, vector<1000x128xf32>
    %add3A_12 = arith.addf %get3A_11, %add3A : vector<1000x128xf32>
    %swap3A = arith.constant 0 : index
    %swap3A_13 = arith.constant 0 : index
    %swap3A_14 = vector.load %arg5[%swap3A, %swap3A_13] : memref<1000x128xf32, #tpu.memory_space<vmem>>, vector<1000x128xf32>
    tpu.vector_store %arg5[%swap3A, %swap3A_13], %add3A_12 {strides = array<i32>} : memref<1000x128xf32, #tpu.memory_space<vmem>>, vector<1000x128xf32>,
    %eq3A = arith.constant 0 : i32
    %eq3A_15 = arith.cmpi eq, %arg0, %eq3A : i32
    %convert_element_type3A = arith.extui %eq3A_15 : i1 to i32
    %cond3A = arith.constant 0 : i32
    %cond3A_16 = arith.cmpi ne, %convert_element_type3A, %cond3A : i32
    scf.if %cond3A_16 {
      %get3A_17 = arith.constant 0 : index
      %get3A_18 = arith.constant 0 : index
      %get3A_19 = arith.constant 0 : index
      %get3A_20 = vector.load %arg4[%get3A_17, %get3A_18, %get3A_19] : memref<32x4x10112xf32, #tpu.memory_space<vmem>>, vector<32x4x10112xf32>
      %reduce_sum3A = arith.constant dense<0.000000e+00> : vector<4x10112xf32>
      %reduce_sum3A_21 = vector.multi_reduction <add>, %get3A_20, %reduce_sum3A [0] : vector<32x4x10112xf32> to vector<4x10112xf32>
      %slice3A = vector.extract_strided_slice %reduce_sum3A_21 {offsets = [3, 0], sizes = [1, 10112], strides = [1, 1]} : vector<4x10112xf32> to vector<1x10112xf32>
      %iota3A = tpu.iota {dimensions = array<i32: 0>} : vector<4x10112xi32>
      %lt3A = arith.constant 3 : i32
      %lt3A_22 = vector.broadcast %lt3A : i32 to vector<4x10112xi32>
      %lt3A_23 = arith.cmpi slt, %iota3A, %lt3A_22 : vector<4x10112xi32>
      %jit3A = arith.constant 0.000000e+00 : f32
      %broadcast_in_dim3A = vector.broadcast %jit3A : f32 to vector<4x10112xf32>
      %select_n3A = arith.select %lt3A_23, %reduce_sum3A_21, %broadcast_in_dim3A : vector<4x10112xi1>, vector<4x10112xf32>
      %get3A_24 = arith.constant 0 : index
      %get3A_25 = arith.constant 0 : index
      %get3A_26 = vector.load %arg2[%get3A_24, %get3A_25] : memref<4x10112xf32, #tpu.memory_space<vmem>>, vector<4x10112xf32>
      %mul3A = vector.broadcast %slice3A : vector<1x10112xf32> to vector<4x10112xf32>
      %mul3A_27 = arith.mulf %get3A_26, %mul3A : vector<4x10112xf32>
      %add3A_28 = arith.addf %get3A_26, %mul3A_27 : vector<4x10112xf32>
      %sub3A = arith.subf %add3A_28, %select_n3A : vector<4x10112xf32>
      %swap3A_29 = arith.constant 0 : index
      %swap3A_30 = arith.constant 0 : index
      %swap3A_31 = vector.load %arg6[%swap3A_29, %swap3A_30] : memref<4x10112xf32, #tpu.memory_space<vmem>>, vector<4x10112xf32>
      tpu.vector_store %arg6[%swap3A_29, %swap3A_30], %sub3A {strides = array<i32>} : memref<4x10112xf32, #tpu.memory_space<vmem>>, vector<4x10112xf32>,
    } else {
    }
    return
  }
  func.func @transform_0(%arg0: i32) -> (i32, i32) {
    %c0_i32 = arith.constant 0 : i32
    %c0_i32_0 = arith.constant 0 : i32
    return %arg0, %c0_i32 : i32, i32
  }
  func.func @transform_1(%arg0: i32) -> (i32, i32) {
    %c0_i32 = arith.constant 0 : i32
    %c0_i32_0 = arith.constant 0 : i32
    %c0_i32_1 = arith.constant 0 : i32
    return %c0_i32, %c0_i32_0 : i32, i32
  }
  func.func @transform_2(%arg0: i32) -> (i32, i32, i32) {
    %c0_i32 = arith.constant 0 : i32
    %c0_i32_0 = arith.constant 0 : i32
    %c0_i32_1 = arith.constant 0 : i32
    return %c0_i32, %arg0, %c0_i32_0 : i32, i32, i32
  }
  func.func @transform_3(%arg0: i32) -> (i32, i32, i32) {
    %c0_i32 = arith.constant 0 : i32
    %c0_i32_0 = arith.constant 0 : i32
    %c0_i32_1 = arith.constant 0 : i32
    %c0_i32_2 = arith.constant 0 : i32
    return %c0_i32, %c0_i32_0, %c0_i32_1 : i32, i32, i32
  }
  func.func @transform_4(%arg0: i32) -> (i32, i32) {
    %c0_i32 = arith.constant 0 : i32
    %c0_i32_0 = arith.constant 0 : i32
    return %arg0, %c0_i32 : i32, i32
  }
  func.func @transform_5(%arg0: i32) -> (i32, i32) {
    %c0_i32 = arith.constant 0 : i32
    %c0_i32_0 = arith.constant 0 : i32
    %c0_i32_1 = arith.constant 0 : i32
    return %c0_i32, %c0_i32_0 : i32, i32
  }
}

</mosaic_0001>

<sc_bundles>
// kernel: kernel.6.cloned.1.call-start
scs
__scs_entry_jumppad:
0x0: {  	(pc) =	sbr.rel $0x88, $3  }
0x1: {  	(tag) =	ssettag $0x0;
	lr =	simm.s32 $0x1  }
0x2: {  	[smem:$0x3F9A] =	sst lr;
	_ =	strace $0xD0000000  }
0x3: {  	_ = 	snop  }
0x4: {  	_ = 	snop  }
0x5: {  	_ = 	snop  }
0x6: {  	_ = 	snop  }
0x7: {  	_ = 	snop  }
__scs_overlays_trampoline_lowered:
0x8: {  	[smem:$0x3FA9] =	sst s0  }
0x9: {  	[smem:$0x3FAA] =	sst s1  }
0xa: {  	[smem:$0x3FAB] =	sst s2  }
0xb: {  	[smem:$0x3FAC] =	sst s3  }
0xc: {  	[smem:$0x3FAD] =	sst s4  }
0xd: {  	[smem:$0x3FAE] =	sst s5  }
0xe: {  	[smem:$0x3FAF] =	sst s6  }
0xf: {  	[smem:$0x3FB0] =	sst s7  }
0x10: {  	[smem:$0x3FB1] =	sst s8  }
0x11: {  	[smem:$0x3FB2] =	sst s9;
	s0 =	simm.s32 @!p0 $0x0  }
0x12: {  	s1 =	sld [smem:$0x3F98];
	s0 =	simm.s32 @p0 $0x1  }
0x13: {  	[smem:$0x3FB3] =	sst s0;
	s0 =	simm.s32 @!p1 $0x0  }
0x14: {  	s2 =	sld [smem:$0x3F97];
	s0 =	simm.s32 @p1 $0x1  }
0x15: {  	[smem:$0x3FB4] =	sst s0;
	s0 =	simm.s32 @!p2 $0x0  }
0x16: {  	s3 =	sld [smem:$0x3FDB];
	s0 =	simm.s32 @p2 $0x1  }
0x17: {  	s4 =	simm.s32 $0x1BF5;
	[smem:$0x3FB6] =	sst s0  }
0x18: {  	s0 =	sld [smem:$0x3F99];
	_ =	swait.ge [sflag:s4], $0x0  }
0x19: {  	s7 =	sld [smem:$0x3F9A]  }
0x1a: {  	s8 =	sadd.s32 $0xFFFFE003, lr  }
0x1b: {  	s9 =	sadd.s32 $0xFFFFFEF7, lr;
	s5 =	simm.s32 $0xFFFFFFFF;
	p2 =	slt.u32 s8, $0xFFFFF086  }
0x1c: {  	p1 =	slt.u32 s9, $0xF7A;
	s5 =	simm.s32 @!p2 $0x0  }
0x1d: {  	s5 =	simm.s32 @p1 $0x1;
	p0 =	seq.s32 s7, s2  }
0x1e: {  	s7 =	smul.u32 @!p0 $0xF7A, s2;
	p2 =	seq.s32 @!p0 s5, $0x0  }
0x1f: {  	s9 =	smul.u32 $0xF7A, s1;
	s8 =	simm.s32 @!p0 $0x1BF5;
	p2 =	por !p2, p0  }
0x20: {  	[sflag:s8] =	ssyncset.s32 @!p0 $0xFFFFF086;
	s6 =	sadd.s32 @!p0 s3, s7;
	s7 =	simm.s32 @!p0 $0x108  }
0x21: {  	s3 =	sadd.s32 s3, s9;
	s6 =	sadd.s32 @!p0 $0x88, s6;
	s7 =	simm.s32 @p2 $0x1082  }
0x22: {  	[simem:s7], [sflag:s8] =	dma.local @!p0 [hbm:s6], $0xF7A  }
0x23: {  	s9 =	sor.u32 $0xD0000000, s2;
	s6 =	simm.s32 $0x108;
	_ =	swait.ge @!p0 [sflag:s8], $0x0  }
0x24: {  	s3 =	sadd.s32 $0x88, s3;
	s6 =	simm.s32 @!p1 $0x1082;
	[sflag:s4] =	ssyncset.s32 $0xFFFFF086  }
0x25: {  	[simem:s6], [sflag:s4] =	dma.local [hbm:s3], $0xF7A  }
0x26: {  	[smem:$0x3F9A] =	sst s1;
	(tag) =	ssettag s2;
	_ =	strace s9  }
0x27: {  	s1 =	sld [smem:$0x3FAA]  }
0x28: {  	s2 =	sld [smem:$0x3FAB]  }
0x29: {  	s4 =	sld [smem:$0x3FAD]  }
0x2a: {  	p0 =	seq.s32 s5, $0x0;
	s5 =	sld [smem:$0x3FAE]  }
0x2b: {  	s6 =	sld [smem:$0x3FAF]  }
0x2c: {  	s7 =	sld [smem:$0x3FB0]  }
0x2d: {  	s3 =	simm.s32 $0x108;
	s8 =	sld [smem:$0x3FB1]  }
0x2e: {  	s3 =	simm.s32 @!p0 $0x1082;
	s9 =	sld [smem:$0x3FB2]  }
0x2f: {  	lr =	sadd.s32 s0, s3;
	s0 =	sld [smem:$0x3FA9]  }
0x30: {  	s3 =	sld [smem:$0x3FAC]  }
0x31: {  	[smem:$0x3FB5] =	sst s10  }
0x32: {  	s10 =	sld [smem:$0x3FB3];
	_ =	sdelay $0x3  }
0x33: {  	p0 =	seq.s32 s10, $0x1;
	s10 =	sld [smem:$0x3FB5];
	_ =	sdelay $0x3  }
0x34: {  	[smem:$0x3FB5] =	sst s10  }
0x35: {  	s10 =	sld [smem:$0x3FB4];
	_ =	sdelay $0x3  }
0x36: {  	p1 =	seq.s32 s10, $0x1;
	s10 =	sld [smem:$0x3FB5];
	_ =	sdelay $0x3  }
0x37: {  	[smem:$0x3FB5] =	sst s10  }
0x38: {  	s10 =	sld [smem:$0x3FB6]  }
0x39: {  	_ = 	snop;
	(pc) =	sbr.ind lr, $3  }
0x3a: {  	_ = 	snop  }
0x3b: {  	_ = 	snop  }
0x3c: {  	p2 =	seq.s32 s10, $0x1;
	s10 =	sld [smem:$0x3FB5]  }
0x3d: {  	_ =	shalt  }
0x3e: {  	_ =	shalt  }
0x3f: {  	_ =	shalt  }
0x40: {  	_ =	shalt  }
0x41: {  	_ =	shalt  }
0x42: {  	_ =	shalt  }
0x43: {  	_ =	shalt  }
0x44: {  	_ =	shalt  }
0x45: {  	_ =	shalt  }
0x46: {  	_ =	shalt  }
0x47: {  	_ =	shalt  }
0x48: {  	_ =	shalt  }
0x49: {  	_ =	shalt  }
0x4a: {  	_ =	shalt  }
0x4b: {  	_ =	shalt  }
0x4c: {  	_ =	shalt  }
0x4d: {  	_ =	shalt  }
0x4e: {  	_ =	shalt  }
0x4f: {  	_ =	shalt  }
0x50: {  	_ =	shalt  }
0x51: {  	_ =	shalt  }
0x52: {  	_ =	shalt  }
0x53: {  	_ =	shalt  }
0x54: {  	_ =	shalt  }
0x55: {  	_ =	shalt  }
0x56: {  	_ =	shalt  }
0x57: {  	_ =	shalt  }
0x58: {  	_ =	shalt  }
0x59: {  	_ =	shalt  }
0x5a: {  	_ =	shalt  }
0x5b: {  	_ =	shalt  }
0x5c: {  	_ =	shalt  }
0x5d: {  	_ =	shalt  }
0x5e: {  	_ =	shalt  }
0x5f: {  	_ =	shalt  }
0x60: {  	_ =	shalt  }
0x61: {  	_ =	shalt  }
0x62: {  	_ =	shalt  }
0x63: {  	_ =	shalt  }
0x64: {  	_ =	shalt  }
0x65: {  	_ =	shalt  }
0x66: {  	_ =	shalt  }
0x67: {  	_ =	shalt  }
0x68: {  	_ =	shalt  }
0x69: {  	_ =	shalt  }
0x6a: {  	_ =	shalt  }
0x6b: {  	_ =	shalt  }
0x6c: {  	_ =	shalt  }
0x6d: {  	_ =	shalt  }
0x6e: {  	_ =	shalt  }
0x6f: {  	_ =	shalt  }
0x70: {  	_ =	shalt  }
0x71: {  	_ =	shalt  }
0x72: {  	_ =	shalt  }
0x73: {  	_ =	shalt  }
0x74: {  	_ =	shalt  }
0x75: {  	_ =	shalt  }
0x76: {  	_ =	shalt  }
0x77: {  	_ =	shalt  }
0x78: {  	_ =	shalt  }
0x79: {  	_ =	shalt  }
0x7a: {  	_ =	shalt  }
0x7b: {  	_ =	shalt  }
0x7c: {  	_ =	shalt  }
0x7d: {  	_ =	shalt  }
0x7e: {  	_ =	shalt  }
0x7f: {  	_ =	shalt  }
0x80: {  	_ =	shalt  }
0x81: {  	_ =	shalt  }
0x82: {  	_ =	shalt  }
0x83: {  	_ =	shalt  }
0x84: {  	_ =	shalt  }
0x85: {  	_ =	shalt  }
0x86: {  	_ =	shalt  }
0x87: {  	_ =	shalt  }
.Lfunc_end0:
.L_simem_size_0:
called_computation_lowered:
.L_overlay_start_0:
0x88: {  	s2 =	sld [smem:$0x3FD9]  }
0x89: {  	s3 =	sld [smem:$0x3FFE];
	_ =	sdelay $0x1  }
0x8a: {  	s1 =	srdreg.scid  }
0x8b: {  	s0 =	sand.u32 $0x1, s1  }
0x8c: {  	s16 =	sshll.u32 s0, $0xA;
	s2 =	sadd.s32 s3, s2  }
0x8d: {  	s2 =	sadd.s32 s2, s16  }
0x8e: {  	[smem:$0x3FC1] =	sst s2  }
0x8f: {  	_ = 	snop  }
0x90: {  	(tm) =	ssettm $0x1  }
0x91: {  	s17 =	sld [smem:$0x3FFB];
	_ =	sdelay $0x3  }
0x92: {  	_ =	strace s17  }
0x93: {  	s2 =	sld [smem:$0x3FFC];
	_ =	sdelay $0x3  }
0x94: {  	_ =	strace s2  }
0x95: {  	s2 =	sld [smem:$0x3FFD];
	_ =	sdelay $0x3  }
0x96: {  	_ =	strace s2  }
0x97: {  	_ =	strace $0x8FFFFFFF  }
0x98: {  	s18 =	sld [smem:$0x3FDB];
	_ =	sdelay $0x1  }
0x99: {  	s19 =	simm.s32 $_scs_section_size  }
0x9a: {  	s4 =	simm.s32 $_size__tile_overlayer_lowered;
	s5 =	simm.s32 $_tile_overlayer_lowered  }
0x9b: {  	s22 =	simm.s32 $0x1BFF;
	s21 =	sshll.u32 s5, $0x1;
	s2 =	sadd.s32 s19, s18  }
0x9c: {  	s6 =	simm.s32 $0x0;
	s20 =	sshll.u32 s4, $0x1;
	s4 =	sadd.s32 s21, s2  }
0x9d: {  	[timem:s6], [sflag:s22] =	dma.local [hbm:s4], s20  }
0x9e: {  	_ =	swait.ge [sflag:s22], s20  }
0x9f: {  	s3 =	ssub.s32 $0x0, s20;
	[sflag:s22] =	ssyncset.done $0x0  }
0xa0: {  	[sflag:s22] =	ssyncadd.s32 s3;
	_ =	sdelay $0x1  }
0xa1: {  	s23 =	simm.s32 $0x1B8B  }
0xa2: {  	_ =	swait.ge [sflag:s23], $0x1  }
0xa3: {  	[sflag:s23] =	ssyncset.done $0x0  }
0xa4: {  	s25 =	simm.s32 $0x1B8E;
	s24 =	sld [smem:$0x3FFE];
	[sflag:s23] =	ssyncadd.s32 $0xFFFFFFFF  }
0xa5: {  	s26 =	simm.s32 $execute0_lowered;
	[smem:$0x3FD2] =	sst s25  }
0xa6: {  	s4 =	sshll.u32 s26, $0x1;
	_ =	strace $0x80000046;
	[dreg:$0x1] =	wrdreg $0xFFFFFFFF  }
0xa7: {  	s28 =	simm.s32 $_size_execute0_lowered;
	s2 =	sadd.s32 s2, s4;
	[dreg:$0x0] =	wrdreg $0x0  }
0xa8: {  	s4 =	sshll.u32 s28, $0x1;
	[dreg:$0x2] =	wrdreg s2  }
0xa9: {  	[dreg:$0x3] =	wrdreg s4  }
0xaa: {  	[dreg:$0x4] =	wrdreg $0xC0  }
0xab: {  	_ =	task [dreg:s6], $0x5FFFF  }
0xac: {  	[dreg:$0x1] =	wrdreg $0xFFFFFFFF  }
0xad: {  	[dreg:$0x0] =	wrdreg $0x60  }
0xae: {  	[dreg:$0x2] =	wrdreg s24  }
0xaf: {  	[dreg:$0x3] =	wrdreg $0x9  }
0xb0: {  	_ =	task.clear_ibuf [dreg:s6], $0x4FFFF;
	_ =	strace $0x90000046  }
0xb1: {  	s29 =	simm.s32 $0x9;
	_ =	strace $0x80000048  }
0xb2: {  	_ =	swait.ge [sflag:s29], $0x1  }
0xb3: {  	[sflag:s29] =	ssyncadd.s32 $0xFFFFFFFF  }
0xb4: {  	_ =	strace $0x90000048  }
0xb5: {  	_ =	sfence  }
0xb6: {  	s30 =	sld [smem:$0x0];
	_ =	sdelay $0x2  }
0xb7: {  	s31 =	sshll.u32 s1, $0xD;
	s1 =	sshrl.u32 s1, $0x2  }
0xb8: {  	s3 =	sand.u32 $0x4000, s31;
	s1 =	sadd.s32 s1, s30  }
0xb9: {  	s0 =	sor.u32 s3, s0;
	s1 =	sshll.u32 s1, $0x11  }
0xba: {  	s0 =	sor.u32 s1, s0  }
0xbb: {  	s0 =	sadd.s32 $0x8F2B, s0  }
0xbc: {  	[sflag:s0] =	ssyncadd.remote.s32 $0x1  }
0xbd: {  	_ =	sfence.sel $0xFFFF  }
0xbe: {  	[dreg:$0x0] =	wrdreg $0xFFFFFFFF;
	(pc) =	sbr.abs _section_cstart, $3  }
0xbf: {  	[dreg:$0x1] =	wrdreg $0xFFFFFFFF  }
0xc0: {  	_ =	task.clear_ibuf [dreg:s6], $0x2FFFF;
	_ =	strace $0x9FFFFFFF  }
0xc1: {  	(tm) =	ssettm $0x7FFFFFFF  }
tec
execute0_lowered:
.L_overlay_start_1:
0x0: {  	(tag) =	ssettag $0x1  }
0x1: {  	s0 =	srdreg.scid;
	s5 =	rddreg [dreg:$0x0];
	s2 =	simm.s32 $0x0  }
0x2: {  	s9 =	simm.s32 $0x2800;
	s10 =	simm.s32 $0x5000;
	s4 =	sand.u32 $0x1, s0  }
0x3: {  	s11 =	simm.s32 $0xEC80;
	s0 =	stileid.u32;
	s1 =	sshll.u32 s4, $0x4  }
0x4: {  	s12 =	simm.s32 $0x80;
	s13 =	simm.s32 $0x400;
	s3 =	sor.u32 s0, s1  }
0x5: {  	[smem:$0x7FF] =	sst s2;
	s7 =	sshll.u32 s0, $0x7;
	s6 =	sshrl.u32 s3, $0x3  }
0x6: {  	s4 =	ssub.s32 $0x2, s4;
	s1 =	rddreg [dreg:$0x1];
	s6 =	smul.u32 $0x4F000, s6  }
0x7: {  	_ =	strace $0x80000047;
	s7 =	sand.u32 $0x380, s7;
	s8 =	smul.u32 $0x500, s3  }
0x8: {  	s31 =	sshrl.u32 s4, $0x1;
	s3 =	sadd.s32 $0x29600, s5;
	s6 =	sor.u32 s7, s6  }
0x9: {  	s30 =	sadd.s32 s8, s5;
	s8 =	ssub.s32 s4, s31;
	s6 =	sshrl.u32 s6, $0x3  }
0xa: {  	s4 =	sadd.s32 $0x15600, s30;
	s7 =	smax.u32 s8, $0x1;
	s6 =	sadd.s32 s6, s5  }
0xb: {  	v0 =	vimm.f32 $0.0e+00;
	s8 =	simm.s32 $0x1;
	s5 =	sadd.s32 $0x1F600, s30;
	s6 =	sadd.s32 $0x2AA00, s6  }
.LBB2_1:
0xc: {  	s14 =	simm.s32 $0x0;
	s15 =	simm.s32 $0x200  }
.LBB2_2:
0xd: {  	p0 =	sne.s32 s15, $0x27600;
	[tilespmem:s14+$0xECF0] =	vst v0  }
0xe: {  	[tilespmem:s14+$0xEC80] =	vst v0  }
0xf: {  	[tilespmem:s14+$0xEC90] =	vst v0  }
.Ltmp0:
0x10: {  	[tilespmem:s14+$0xECA0] =	vst v0;
	(pc) =	sbr.rel @p0 .LBB2_2-.Ltmp0, $4  }
0x11: {  	[tilespmem:s14+$0xECB0] =	vst v0  }
0x12: {  	[tilespmem:s14+$0xECC0] =	vst v0  }
0x13: {  	[tilespmem:s14+$0xECD0] =	vst v0  }
0x14: {  	[tilespmem:s14+$0xECE0] =	vst v0;
	s14 =	sshra.s32 s15, $0x2;
	s15 =	sadd.s32 $0x200, s15  }
0x15: {  	[tilespmem:s14+$0xECF0] =	vst v0  }
0x16: {  	[tilespmem:s14+$0xEC80] =	vst v0  }
0x17: {  	[tilespmem:s14+$0xEC90] =	vst v0  }
0x18: {  	[tilespmem:s14+$0xECA0] =	vst v0  }
0x19: {  	[tilespmem:s14+$0xECB0] =	vst v0  }
0x1a: {  	[tilespmem:s14+$0xECC0] =	vst v0  }
0x1b: {  	[tilespmem:s14+$0xECD0] =	vst v0  }
0x1c: {  	[tilespmem:s14+$0xECE0] =	vst v0;
	s14 =	simm.s32 $0x0  }
0x1d: {  	[tilespmem:s14], [sflag:$0x1] =	stream.linear.gather [hbm4b:s4+s14], $0x2780, $0x38;
	[tilespmem:$0x18A80] =	vst v63  }
0x1e: {  	_ =	swait.ge [sflag:s8], $0x2780  }
0x1f: {  	[sflag:s8] =	ssyncset.done $0x0  }
0x20: {  	[sflag:s8] =	ssyncadd.s32 $0xFFFFD880  }
0x21: {  	[tilespmem:s9], [sflag:$0x1] =	stream.linear.gather [hbm4b:s5+s14], $0x2780, $0x38;
	[tilespmem:$0x18A80] =	vst v63  }
0x22: {  	_ =	swait.ge [sflag:s8], $0x2780  }
0x23: {  	[sflag:s8] =	ssyncset.done $0x0  }
0x24: {  	[sflag:s8] =	ssyncadd.s32 $0xFFFFD880  }
0x25: {  	[tilespmem:s10], [sflag:$0x1] =	stream.linear.gather [hbm4b:s3+s14], $0x9C80, $0x38;
	[tilespmem:$0x18A80] =	vst v63  }
0x26: {  	_ =	swait.ge [sflag:s8], $0x9C80  }
0x27: {  	[sflag:s8] =	ssyncset.done $0x0  }
0x28: {  	[sflag:s8] =	ssyncadd.s32 $0xFFFF6380  }
.LBB2_4:
0x29: {  	s15 =	sshra.s32 s14, $0x2  }
0x2a: {  	v1 =	vld [tilespmem:s15+$0x0];
	_ =	sdelay $0x4  }
0x2b: {  	v2 =	vld [tilespmem:s15+$0x2800];
	_ =	sdelay $0x2  }
0x2c: {  	v3 =	vld.idx.msk [tilespmem:v1+s10+$0x0], $0xffff  }
0x2d: {  	v4 =	vadd.s32 $0x1, v1;
	_ =	sdelay $0x3  }
0x2e: {  	[tilespmem:v2+s11+$0x0] =	vst.idx.add.f32.msk $0xffff, v3  }
0x2f: {  	v34 =	vadd.s32 $0x2780, v2;
	v3 =	vld.idx.msk [tilespmem:v4+s10+$0x0], $0xffff  }
0x30: {  	v5 =	vadd.s32 $0x2, v1;
	_ =	sdelay $0x3  }
0x31: {  	[tilespmem:v34+s11+$0x0] =	vst.idx.add.f32.msk $0xffff, v3  }
0x32: {  	v35 =	vadd.s32 $0x4F00, v2;
	v3 =	vld.idx.msk [tilespmem:v5+s10+$0x0], $0xffff  }
0x33: {  	v1 =	vadd.s32 $0x3, v1;
	_ =	sdelay $0x3  }
0x34: {  	[tilespmem:v35+s11+$0x0] =	vst.idx.add.f32.msk $0xffff, v3  }
0x35: {  	v2 =	vadd.s32 $0x7680, v2;
	v1 =	vld.idx.msk [tilespmem:v1+s10+$0x0], $0xffff;
	_ =	sdelay $0x4  }
0x36: {  	[tilespmem:v2+s11+$0x0] =	vst.idx.add.f32.msk $0xffff, v1  }
0x37: {  	v1 =	vld [tilespmem:s15+$0x10];
	_ =	sdelay $0x4  }
0x38: {  	v2 =	vld [tilespmem:s15+$0x2810];
	_ =	sdelay $0x2  }
0x39: {  	v3 =	vld.idx.msk [tilespmem:v1+s10+$0x0], $0xffff  }
0x3a: {  	v36 =	vadd.s32 $0x1, v1;
	_ =	sdelay $0x3  }
0x3b: {  	[tilespmem:v2+s11+$0x0] =	vst.idx.add.f32.msk $0xffff, v3  }
0x3c: {  	v37 =	vadd.s32 $0x2780, v2;
	v3 =	vld.idx.msk [tilespmem:v36+s10+$0x0], $0xffff  }
0x3d: {  	v38 =	vadd.s32 $0x2, v1;
	_ =	sdelay $0x3  }
0x3e: {  	[tilespmem:v37+s11+$0x0] =	vst.idx.add.f32.msk $0xffff, v3  }
0x3f: {  	v39 =	vadd.s32 $0x4F00, v2;
	v3 =	vld.idx.msk [tilespmem:v38+s10+$0x0], $0xffff  }
0x40: {  	v1 =	vadd.s32 $0x3, v1;
	_ =	sdelay $0x3  }
0x41: {  	[tilespmem:v39+s11+$0x0] =	vst.idx.add.f32.msk $0xffff, v3  }
0x42: {  	v2 =	vadd.s32 $0x7680, v2;
	v1 =	vld.idx.msk [tilespmem:v1+s10+$0x0], $0xffff;
	_ =	sdelay $0x4  }
0x43: {  	[tilespmem:v2+s11+$0x0] =	vst.idx.add.f32.msk $0xffff, v1  }
0x44: {  	v1 =	vld [tilespmem:s15+$0x20];
	_ =	sdelay $0x4  }
0x45: {  	v2 =	vld [tilespmem:s15+$0x2820];
	_ =	sdelay $0x2  }
0x46: {  	v3 =	vld.idx.msk [tilespmem:v1+s10+$0x0], $0xffff  }
0x47: {  	v40 =	vadd.s32 $0x1, v1;
	_ =	sdelay $0x3  }
0x48: {  	[tilespmem:v2+s11+$0x0] =	vst.idx.add.f32.msk $0xffff, v3  }
0x49: {  	v41 =	vadd.s32 $0x2780, v2;
	v3 =	vld.idx.msk [tilespmem:v40+s10+$0x0], $0xffff  }
0x4a: {  	v42 =	vadd.s32 $0x2, v1;
	_ =	sdelay $0x3  }
0x4b: {  	[tilespmem:v41+s11+$0x0] =	vst.idx.add.f32.msk $0xffff, v3  }
0x4c: {  	v43 =	vadd.s32 $0x4F00, v2;
	v3 =	vld.idx.msk [tilespmem:v42+s10+$0x0], $0xffff  }
0x4d: {  	v1 =	vadd.s32 $0x3, v1;
	_ =	sdelay $0x3  }
0x4e: {  	[tilespmem:v43+s11+$0x0] =	vst.idx.add.f32.msk $0xffff, v3  }
0x4f: {  	v2 =	vadd.s32 $0x7680, v2;
	v1 =	vld.idx.msk [tilespmem:v1+s10+$0x0], $0xffff;
	_ =	sdelay $0x4  }
0x50: {  	[tilespmem:v2+s11+$0x0] =	vst.idx.add.f32.msk $0xffff, v1  }
0x51: {  	v1 =	vld [tilespmem:s15+$0x30];
	_ =	sdelay $0x4  }
0x52: {  	v2 =	vld [tilespmem:s15+$0x2830];
	_ =	sdelay $0x2  }
0x53: {  	v3 =	vld.idx.msk [tilespmem:v1+s10+$0x0], $0xffff  }
0x54: {  	v44 =	vadd.s32 $0x1, v1;
	_ =	sdelay $0x3  }
0x55: {  	[tilespmem:v2+s11+$0x0] =	vst.idx.add.f32.msk $0xffff, v3  }
0x56: {  	v45 =	vadd.s32 $0x2780, v2;
	v3 =	vld.idx.msk [tilespmem:v44+s10+$0x0], $0xffff  }
0x57: {  	v46 =	vadd.s32 $0x2, v1;
	_ =	sdelay $0x3  }
0x58: {  	[tilespmem:v45+s11+$0x0] =	vst.idx.add.f32.msk $0xffff, v3  }
0x59: {  	v47 =	vadd.s32 $0x4F00, v2;
	v3 =	vld.idx.msk [tilespmem:v46+s10+$0x0], $0xffff  }
0x5a: {  	v1 =	vadd.s32 $0x3, v1;
	_ =	sdelay $0x3  }
0x5b: {  	[tilespmem:v47+s11+$0x0] =	vst.idx.add.f32.msk $0xffff, v3  }
0x5c: {  	v2 =	vadd.s32 $0x7680, v2;
	v1 =	vld.idx.msk [tilespmem:v1+s10+$0x0], $0xffff;
	_ =	sdelay $0x4  }
0x5d: {  	[tilespmem:v2+s11+$0x0] =	vst.idx.add.f32.msk $0xffff, v1  }
0x5e: {  	v1 =	vld [tilespmem:s15+$0x40];
	_ =	sdelay $0x4  }
0x5f: {  	v2 =	vld [tilespmem:s15+$0x2840];
	_ =	sdelay $0x2  }
0x60: {  	v3 =	vld.idx.msk [tilespmem:v1+s10+$0x0], $0xffff  }
0x61: {  	v48 =	vadd.s32 $0x1, v1;
	_ =	sdelay $0x3  }
0x62: {  	[tilespmem:v2+s11+$0x0] =	vst.idx.add.f32.msk $0xffff, v3  }
0x63: {  	v49 =	vadd.s32 $0x2780, v2;
	v3 =	vld.idx.msk [tilespmem:v48+s10+$0x0], $0xffff  }
0x64: {  	v50 =	vadd.s32 $0x2, v1;
	_ =	sdelay $0x3  }
0x65: {  	[tilespmem:v49+s11+$0x0] =	vst.idx.add.f32.msk $0xffff, v3  }
0x66: {  	v51 =	vadd.s32 $0x4F00, v2;
	v3 =	vld.idx.msk [tilespmem:v50+s10+$0x0], $0xffff  }
0x67: {  	v1 =	vadd.s32 $0x3, v1;
	_ =	sdelay $0x3  }
0x68: {  	[tilespmem:v51+s11+$0x0] =	vst.idx.add.f32.msk $0xffff, v3  }
0x69: {  	v2 =	vadd.s32 $0x7680, v2;
	v1 =	vld.idx.msk [tilespmem:v1+s10+$0x0], $0xffff;
	_ =	sdelay $0x4  }
0x6a: {  	[tilespmem:v2+s11+$0x0] =	vst.idx.add.f32.msk $0xffff, v1  }
0x6b: {  	v1 =	vld [tilespmem:s15+$0x50];
	_ =	sdelay $0x4  }
0x6c: {  	v2 =	vld [tilespmem:s15+$0x2850];
	_ =	sdelay $0x2  }
0x6d: {  	v3 =	vld.idx.msk [tilespmem:v1+s10+$0x0], $0xffff  }
0x6e: {  	v52 =	vadd.s32 $0x1, v1;
	_ =	sdelay $0x3  }
0x6f: {  	[tilespmem:v2+s11+$0x0] =	vst.idx.add.f32.msk $0xffff, v3  }
0x70: {  	v53 =	vadd.s32 $0x2780, v2;
	v3 =	vld.idx.msk [tilespmem:v52+s10+$0x0], $0xffff  }
0x71: {  	v54 =	vadd.s32 $0x2, v1;
	_ =	sdelay $0x3  }
0x72: {  	[tilespmem:v53+s11+$0x0] =	vst.idx.add.f32.msk $0xffff, v3  }
0x73: {  	v55 =	vadd.s32 $0x4F00, v2;
	v3 =	vld.idx.msk [tilespmem:v54+s10+$0x0], $0xffff  }
0x74: {  	v1 =	vadd.s32 $0x3, v1;
	_ =	sdelay $0x3  }
0x75: {  	[tilespmem:v55+s11+$0x0] =	vst.idx.add.f32.msk $0xffff, v3  }
0x76: {  	v2 =	vadd.s32 $0x7680, v2;
	v1 =	vld.idx.msk [tilespmem:v1+s10+$0x0], $0xffff;
	_ =	sdelay $0x4  }
0x77: {  	[tilespmem:v2+s11+$0x0] =	vst.idx.add.f32.msk $0xffff, v1  }
0x78: {  	v1 =	vld [tilespmem:s15+$0x60];
	_ =	sdelay $0x4  }
0x79: {  	v2 =	vld [tilespmem:s15+$0x2860];
	_ =	sdelay $0x2  }
0x7a: {  	v3 =	vld.idx.msk [tilespmem:v1+s10+$0x0], $0xffff  }
0x7b: {  	v56 =	vadd.s32 $0x1, v1;
	_ =	sdelay $0x3  }
0x7c: {  	[tilespmem:v2+s11+$0x0] =	vst.idx.add.f32.msk $0xffff, v3  }
0x7d: {  	v57 =	vadd.s32 $0x2780, v2;
	v3 =	vld.idx.msk [tilespmem:v56+s10+$0x0], $0xffff  }
0x7e: {  	v58 =	vadd.s32 $0x2, v1;
	_ =	sdelay $0x3  }
0x7f: {  	[tilespmem:v57+s11+$0x0] =	vst.idx.add.f32.msk $0xffff, v3  }
0x80: {  	v59 =	vadd.s32 $0x4F00, v2;
	v3 =	vld.idx.msk [tilespmem:v58+s10+$0x0], $0xffff  }
0x81: {  	v1 =	vadd.s32 $0x3, v1;
	_ =	sdelay $0x3  }
0x82: {  	[tilespmem:v59+s11+$0x0] =	vst.idx.add.f32.msk $0xffff, v3  }
0x83: {  	v2 =	vadd.s32 $0x7680, v2;
	v1 =	vld.idx.msk [tilespmem:v1+s10+$0x0], $0xffff;
	_ =	sdelay $0x4  }
0x84: {  	[tilespmem:v2+s11+$0x0] =	vst.idx.add.f32.msk $0xffff, v1  }
0x85: {  	v1 =	vld [tilespmem:s15+$0x70];
	_ =	sdelay $0x4  }
0x86: {  	v2 =	vld [tilespmem:s15+$0x2870];
	_ =	sdelay $0x2  }
0x87: {  	v3 =	vld.idx.msk [tilespmem:v1+s10+$0x0], $0xffff  }
0x88: {  	v60 =	vadd.s32 $0x1, v1;
	_ =	sdelay $0x3  }
0x89: {  	[tilespmem:v2+s11+$0x0] =	vst.idx.add.f32.msk $0xffff, v3  }
0x8a: {  	v61 =	vadd.s32 $0x2780, v2;
	v3 =	vld.idx.msk [tilespmem:v60+s10+$0x0], $0xffff  }
0x8b: {  	v62 =	vadd.s32 $0x2, v1;
	_ =	sdelay $0x3  }
0x8c: {  	[tilespmem:v61+s11+$0x0] =	vst.idx.add.f32.msk $0xffff, v3  }
0x8d: {  	v63 =	vadd.s32 $0x4F00, v2;
	v3 =	vld.idx.msk [tilespmem:v62+s10+$0x0], $0xffff  }
0x8e: {  	v1 =	vadd.s32 $0x3, v1;
	_ =	sdelay $0x3  }
0x8f: {  	[tilespmem:v63+s11+$0x0] =	vst.idx.add.f32.msk $0xffff, v3  }
0x90: {  	p0 =	sne.s32 s14, $0x9C00;
	v2 =	vadd.s32 $0x7680, v2;
	v1 =	vld.idx.msk [tilespmem:v1+s10+$0x0], $0xffff  }
.Ltmp1:
0x91: {  	_ = 	snop;
	(pc) =	sbr.rel @p0 .LBB2_4-.Ltmp1, $2  }
0x92: {  	_ =	sdelay $0x2  }
0x93: {  	s14 =	sadd.s32 $0x200, s14;
	[tilespmem:v2+s11+$0x0] =	vst.idx.add.f32.msk $0xffff, v1  }
0x94: {  	s2 =	sadd.s32 $0x1, s2  }
0x95: {  	p0 =	sne.s32 s2, s7  }
.Ltmp2:
0x96: {  	_ = 	snop;
	(pc) =	sbr.rel @p0 .LBB2_1-.Ltmp2, $4  }
0x97: {  	[hbm4b:s6+s12] =	stream.strided.scatter [tilespmem:s11], [sflag:$0x1], $0x9E00, s13, s12, $0x38;
	[tilespmem:$0x18A80] =	vst v63  }
0x98: {  	_ =	swait.ge [sflag:s8], $0x9E00  }
0x99: {  	[sflag:s8] =	ssyncset.done $0x0  }
0x9a: {  	[sflag:s8] =	ssyncadd.s32 $0xFFFF6200  }
0x9b: {  	_ =	sfence.sel $0x180000  }
0x9c: {  	[bflag:$0x0] =	sbarrier.arrive $0xFFFF  }
0x9d: {  	p0 =	sne.s32 s0, $0x0;
	_ =	strace $0x90000047  }
0x9e: {  	s0 =	sadd.s32 @!p0 $0x100000, s1;
	[bflag:$0x2] =	sbarrier.arrive $0xFFFF  }
0x9f: {  	[sflag:s0] =	ssyncadd.tile.s32 @!p0 $0x1;
	_ =	shalt  }
.Lfunc_end2:
_tile_overlayer_lowered:
.L_overlay_start_2:
0xa0: {  	(tag) =	ssettag $0x2  }
0xa1: {  	s0 =	rddreg [dreg:$0x0];
	s2 =	stileid.u32  }
0xa2: {  	s1 =	rddreg [dreg:$0x1];
	p0 =	sne.s32 s2, $0x0  }
0xa3: {  	s3 =	rddreg [dreg:$0x2];
	[bflag:$0x3] =	sbarrier.arrive $0xFFFF;
	s2 =	simm.s32 @!p0 $0x1C01  }
0xa4: {  	[timem:s3], [sflag:s2] =	dma.local @!p0 [hbm:s0], s1  }
0xa5: {  	s0 =	simm.s32 @!p0 $0x1  }
0xa6: {  	_ =	swait.ge @!p0 [sflag:s0], s1  }
0xa7: {  	s1 =	ssub.s32 @!p0 $0x0, s1;
	[sflag:s0] =	ssyncset.done @!p0 $0x0  }
0xa8: {  	[sflag:s0] =	ssyncadd.s32 @!p0 s1  }
0xa9: {  	[bflag:$0x3] =	sbarrier.arrive $0xFFFF  }
0xaa: {  	_ =	shalt  }

// kernel: kernel.9.cloned.1.call-start
scs
__scs_entry_jumppad:
0x0: {  	(pc) =	sbr.rel $0x88, $3  }
0x1: {  	(tag) =	ssettag $0x0;
	lr =	simm.s32 $0x1  }
0x2: {  	[smem:$0x3F9A] =	sst lr;
	_ =	strace $0xD0000000  }
0x3: {  	_ = 	snop  }
0x4: {  	_ = 	snop  }
0x5: {  	_ = 	snop  }
0x6: {  	_ = 	snop  }
0x7: {  	_ = 	snop  }
__scs_overlays_trampoline_lowered:
0x8: {  	[smem:$0x3FA9] =	sst s0  }
0x9: {  	[smem:$0x3FAA] =	sst s1  }
0xa: {  	[smem:$0x3FAB] =	sst s2  }
0xb: {  	[smem:$0x3FAC] =	sst s3  }
0xc: {  	[smem:$0x3FAD] =	sst s4  }
0xd: {  	[smem:$0x3FAE] =	sst s5  }
0xe: {  	[smem:$0x3FAF] =	sst s6  }
0xf: {  	[smem:$0x3FB0] =	sst s7  }
0x10: {  	[smem:$0x3FB1] =	sst s8  }
0x11: {  	[smem:$0x3FB2] =	sst s9;
	s0 =	simm.s32 @!p0 $0x0  }
0x12: {  	s1 =	sld [smem:$0x3F98];
	s0 =	simm.s32 @p0 $0x1  }
0x13: {  	[smem:$0x3FB3] =	sst s0;
	s0 =	simm.s32 @!p1 $0x0  }
0x14: {  	s2 =	sld [smem:$0x3F97];
	s0 =	simm.s32 @p1 $0x1  }
0x15: {  	[smem:$0x3FB4] =	sst s0;
	s0 =	simm.s32 @!p2 $0x0  }
0x16: {  	s3 =	sld [smem:$0x3FDB];
	s0 =	simm.s32 @p2 $0x1  }
0x17: {  	s4 =	simm.s32 $0x1BF5;
	[smem:$0x3FB6] =	sst s0  }
0x18: {  	s0 =	sld [smem:$0x3F99];
	_ =	swait.ge [sflag:s4], $0x0  }
0x19: {  	s7 =	sld [smem:$0x3F9A]  }
0x1a: {  	s8 =	sadd.s32 $0xFFFFE003, lr  }
0x1b: {  	s9 =	sadd.s32 $0xFFFFFEF7, lr;
	s5 =	simm.s32 $0xFFFFFFFF;
	p2 =	slt.u32 s8, $0xFFFFF086  }
0x1c: {  	p1 =	slt.u32 s9, $0xF7A;
	s5 =	simm.s32 @!p2 $0x0  }
0x1d: {  	s5 =	simm.s32 @p1 $0x1;
	p0 =	seq.s32 s7, s2  }
0x1e: {  	s7 =	smul.u32 @!p0 $0xF7A, s2;
	p2 =	seq.s32 @!p0 s5, $0x0  }
0x1f: {  	s9 =	smul.u32 $0xF7A, s1;
	s8 =	simm.s32 @!p0 $0x1BF5;
	p2 =	por !p2, p0  }
0x20: {  	[sflag:s8] =	ssyncset.s32 @!p0 $0xFFFFF086;
	s6 =	sadd.s32 @!p0 s3, s7;
	s7 =	simm.s32 @!p0 $0x108  }
0x21: {  	s3 =	sadd.s32 s3, s9;
	s6 =	sadd.s32 @!p0 $0x88, s6;
	s7 =	simm.s32 @p2 $0x1082  }
0x22: {  	[simem:s7], [sflag:s8] =	dma.local @!p0 [hbm:s6], $0xF7A  }
0x23: {  	s9 =	sor.u32 $0xD0000000, s2;
	s6 =	simm.s32 $0x108;
	_ =	swait.ge @!p0 [sflag:s8], $0x0  }
0x24: {  	s3 =	sadd.s32 $0x88, s3;
	s6 =	simm.s32 @!p1 $0x1082;
	[sflag:s4] =	ssyncset.s32 $0xFFFFF086  }
0x25: {  	[simem:s6], [sflag:s4] =	dma.local [hbm:s3], $0xF7A  }
0x26: {  	[smem:$0x3F9A] =	sst s1;
	(tag) =	ssettag s2;
	_ =	strace s9  }
0x27: {  	s1 =	sld [smem:$0x3FAA]  }
0x28: {  	s2 =	sld [smem:$0x3FAB]  }
0x29: {  	s4 =	sld [smem:$0x3FAD]  }
0x2a: {  	p0 =	seq.s32 s5, $0x0;
	s5 =	sld [smem:$0x3FAE]  }
0x2b: {  	s6 =	sld [smem:$0x3FAF]  }
0x2c: {  	s7 =	sld [smem:$0x3FB0]  }
0x2d: {  	s3 =	simm.s32 $0x108;
	s8 =	sld [smem:$0x3FB1]  }
0x2e: {  	s3 =	simm.s32 @!p0 $0x1082;
	s9 =	sld [smem:$0x3FB2]  }
0x2f: {  	lr =	sadd.s32 s0, s3;
	s0 =	sld [smem:$0x3FA9]  }
0x30: {  	s3 =	sld [smem:$0x3FAC]  }
0x31: {  	[smem:$0x3FB5] =	sst s10  }
0x32: {  	s10 =	sld [smem:$0x3FB3];
	_ =	sdelay $0x3  }
0x33: {  	p0 =	seq.s32 s10, $0x1;
	s10 =	sld [smem:$0x3FB5];
	_ =	sdelay $0x3  }
0x34: {  	[smem:$0x3FB5] =	sst s10  }
0x35: {  	s10 =	sld [smem:$0x3FB4];
	_ =	sdelay $0x3  }
0x36: {  	p1 =	seq.s32 s10, $0x1;
	s10 =	sld [smem:$0x3FB5];
	_ =	sdelay $0x3  }
0x37: {  	[smem:$0x3FB5] =	sst s10  }
0x38: {  	s10 =	sld [smem:$0x3FB6]  }
0x39: {  	_ = 	snop;
	(pc) =	sbr.ind lr, $3  }
0x3a: {  	_ = 	snop  }
0x3b: {  	_ = 	snop  }
0x3c: {  	p2 =	seq.s32 s10, $0x1;
	s10 =	sld [smem:$0x3FB5]  }
0x3d: {  	_ =	shalt  }
0x3e: {  	_ =	shalt  }
0x3f: {  	_ =	shalt  }
0x40: {  	_ =	shalt  }
0x41: {  	_ =	shalt  }
0x42: {  	_ =	shalt  }
0x43: {  	_ =	shalt  }
0x44: {  	_ =	shalt  }
0x45: {  	_ =	shalt  }
0x46: {  	_ =	shalt  }
0x47: {  	_ =	shalt  }
0x48: {  	_ =	shalt  }
0x49: {  	_ =	shalt  }
0x4a: {  	_ =	shalt  }
0x4b: {  	_ =	shalt  }
0x4c: {  	_ =	shalt  }
0x4d: {  	_ =	shalt  }
0x4e: {  	_ =	shalt  }
0x4f: {  	_ =	shalt  }
0x50: {  	_ =	shalt  }
0x51: {  	_ =	shalt  }
0x52: {  	_ =	shalt  }
0x53: {  	_ =	shalt  }
0x54: {  	_ =	shalt  }
0x55: {  	_ =	shalt  }
0x56: {  	_ =	shalt  }
0x57: {  	_ =	shalt  }
0x58: {  	_ =	shalt  }
0x59: {  	_ =	shalt  }
0x5a: {  	_ =	shalt  }
0x5b: {  	_ =	shalt  }
0x5c: {  	_ =	shalt  }
0x5d: {  	_ =	shalt  }
0x5e: {  	_ =	shalt  }
0x5f: {  	_ =	shalt  }
0x60: {  	_ =	shalt  }
0x61: {  	_ =	shalt  }
0x62: {  	_ =	shalt  }
0x63: {  	_ =	shalt  }
0x64: {  	_ =	shalt  }
0x65: {  	_ =	shalt  }
0x66: {  	_ =	shalt  }
0x67: {  	_ =	shalt  }
0x68: {  	_ =	shalt  }
0x69: {  	_ =	shalt  }
0x6a: {  	_ =	shalt  }
0x6b: {  	_ =	shalt  }
0x6c: {  	_ =	shalt  }
0x6d: {  	_ =	shalt  }
0x6e: {  	_ =	shalt  }
0x6f: {  	_ =	shalt  }
0x70: {  	_ =	shalt  }
0x71: {  	_ =	shalt  }
0x72: {  	_ =	shalt  }
0x73: {  	_ =	shalt  }
0x74: {  	_ =	shalt  }
0x75: {  	_ =	shalt  }
0x76: {  	_ =	shalt  }
0x77: {  	_ =	shalt  }
0x78: {  	_ =	shalt  }
0x79: {  	_ =	shalt  }
0x7a: {  	_ =	shalt  }
0x7b: {  	_ =	shalt  }
0x7c: {  	_ =	shalt  }
0x7d: {  	_ =	shalt  }
0x7e: {  	_ =	shalt  }
0x7f: {  	_ =	shalt  }
0x80: {  	_ =	shalt  }
0x81: {  	_ =	shalt  }
0x82: {  	_ =	shalt  }
0x83: {  	_ =	shalt  }
0x84: {  	_ =	shalt  }
0x85: {  	_ =	shalt  }
0x86: {  	_ =	shalt  }
0x87: {  	_ =	shalt  }
.Lfunc_end0:
.L_simem_size_0:
called_computation.1_lowered:
.L_overlay_start_0:
0x88: {  	s2 =	sld [smem:$0x3FD9]  }
0x89: {  	s3 =	sld [smem:$0x3FFE];
	_ =	sdelay $0x1  }
0x8a: {  	s1 =	srdreg.scid  }
0x8b: {  	s0 =	sand.u32 $0x1, s1  }
0x8c: {  	s15 =	sshll.u32 s0, $0xA;
	s2 =	sadd.s32 s3, s2  }
0x8d: {  	s2 =	sadd.s32 s2, s15  }
0x8e: {  	[smem:$0x3FC1] =	sst s2  }
0x8f: {  	_ = 	snop  }
0x90: {  	s2 =	sld [smem:$0x3FD0];
	_ =	sdelay $0x2  }
0x91: {  	s16 =	simm.s32 $0xB;
	s4 =	simm.s32 $0x10  }
0x92: {  	[smem:s4], [sflag:s16] =	dma.local [hbm:s2], $0x1  }
0x93: {  	_ =	swait.eq [sflag:s16], $0x1  }
0x94: {  	[sflag:s16] =	ssyncset.done $0x0  }
0x95: {  	[sflag:s16] =	ssyncadd.s32 $0xFFFFFFFF  }
0x96: {  	s17 =	sld [smem:$0x10];
	(tm) =	ssettm $0x1  }
0x97: {  	s18 =	sld [smem:$0x3FFB];
	_ =	sdelay $0x3  }
0x98: {  	_ =	strace s18  }
0x99: {  	s2 =	sld [smem:$0x3FFC];
	_ =	sdelay $0x3  }
0x9a: {  	_ =	strace s2  }
0x9b: {  	s2 =	sld [smem:$0x3FFD];
	_ =	sdelay $0x3  }
0x9c: {  	_ =	strace s2  }
0x9d: {  	_ =	strace $0x8FFFFFFF  }
0x9e: {  	s19 =	sld [smem:$0x3FDB];
	_ =	sdelay $0x1  }
0x9f: {  	s20 =	simm.s32 $_scs_section_size  }
0xa0: {  	s5 =	simm.s32 $_size__tile_overlayer_lowered;
	s6 =	simm.s32 $_tile_overlayer_lowered  }
0xa1: {  	s7 =	simm.s32 $0x1BFF;
	s21 =	sshll.u32 s6, $0x1;
	s4 =	sadd.s32 s20, s19  }
0xa2: {  	s22 =	simm.s32 $0x0;
	s5 =	sshll.u32 s5, $0x1;
	s6 =	sadd.s32 s21, s4  }
0xa3: {  	[timem:s22], [sflag:s7] =	dma.local [hbm:s6], s5  }
0xa4: {  	_ =	swait.ge [sflag:s7], s5  }
0xa5: {  	s5 =	ssub.s32 $0x0, s5;
	[sflag:s7] =	ssyncset.done $0x0  }
0xa6: {  	[sflag:s7] =	ssyncadd.s32 s5;
	_ =	sdelay $0x1  }
0xa7: {  	s23 =	simm.s32 $0x1B8B  }
0xa8: {  	_ =	swait.ge [sflag:s23], $0x1  }
0xa9: {  	[sflag:s23] =	ssyncset.done $0x0  }
0xaa: {  	[sflag:s23] =	ssyncadd.s32 $0xFFFFFFFF  }
0xab: {  	s5 =	sld [smem:$0x0]  }
0xac: {  	s6 =	sand.u32 $0xFFFFFFFE, s1  }
0xad: {  	p0 =	sne.s32 s1, s6  }
0xae: {  	s6 =	sshll.u32 @p0 s6, $0xE  }
0xaf: {  	s6 =	sadd.s32 @p0 $0x11B8D, s6;
	s7 =	sshll.u32 @p0 s5, $0x11  }
0xb0: {  	s6 =	sor.u32 @p0 s7, s6  }
0xb1: {  	[sflag:s6] =	ssyncadd.remote.s32 @p0 $0x1;
	_ =	sdelay $0x1  }
0xb2: {  	s6 =	simm.s32 @p0 $0x1B8D  }
0xb3: {  	_ =	swait.eq @p0 [sflag:s6], $0x1  }
0xb4: {  	[sflag:s6] =	ssyncadd.s32 @p0 $0xFFFFFFFF  }
0xb5: {  	s7 =	sshll.u32 @!p0 s1, $0xE  }
0xb6: {  	s7 =	sor.u32 @!p0 $0x4000, s7;
	s6 =	simm.s32 @!p0 $0x1B8D  }
0xb7: {  	s5 =	sshll.u32 @!p0 s5, $0x11;
	s7 =	sadd.s32 @!p0 $0x11B8D, s7;
	_ =	swait.eq @!p0 [sflag:s6], $0x1  }
0xb8: {  	s5 =	sor.u32 @!p0 s5, s7;
	[sflag:s6] =	ssyncadd.s32 @!p0 $0xFFFFFFFF  }
0xb9: {  	s25 =	simm.s32 $0x1B8E;
	s24 =	sld [smem:$0x3FFE];
	[sflag:s5] =	ssyncadd.remote.s32 @!p0 $0x1  }
0xba: {  	s26 =	simm.s32 $execute0_lowered;
	[smem:$0x3FD2] =	sst s25  }
0xbb: {  	s6 =	sshll.u32 s26, $0x1;
	_ =	strace $0x80000049;
	[dreg:$0x1] =	wrdreg $0xFFFFFFFF  }
0xbc: {  	s28 =	simm.s32 $_size_execute0_lowered;
	s4 =	sadd.s32 s4, s6;
	[dreg:$0x0] =	wrdreg $0x0  }
0xbd: {  	s6 =	sshll.u32 s28, $0x1;
	[dreg:$0x2] =	wrdreg s4  }
0xbe: {  	[dreg:$0x3] =	wrdreg s6  }
0xbf: {  	[dreg:$0x4] =	wrdreg $0xC0  }
0xc0: {  	_ =	task [dreg:s22], $0x5FFFF  }
0xc1: {  	[dreg:$0x1] =	wrdreg $0xFFFFFFFF  }
0xc2: {  	[dreg:$0x0] =	wrdreg $0x60  }
0xc3: {  	[dreg:$0x2] =	wrdreg s17  }
0xc4: {  	[dreg:$0x3] =	wrdreg s24  }
0xc5: {  	[dreg:$0x4] =	wrdreg $0x82000  }
0xc6: {  	[dreg:$0x5] =	wrdreg $0xA  }
0xc7: {  	_ =	task.clear_ibuf [dreg:s22], $0x6FFFF;
	_ =	strace $0x90000049  }
0xc8: {  	s29 =	simm.s32 $0xA;
	_ =	strace $0x8000004B  }
0xc9: {  	_ =	swait.ge [sflag:s29], $0x1  }
0xca: {  	[sflag:s29] =	ssyncadd.s32 $0xFFFFFFFF  }
0xcb: {  	_ =	strace $0x9000004B  }
0xcc: {  	_ =	sfence  }
0xcd: {  	s30 =	sld [smem:$0x0];
	_ =	sdelay $0x2  }
0xce: {  	s31 =	sshll.u32 s1, $0xD;
	s1 =	sshrl.u32 s1, $0x2  }
0xcf: {  	s4 =	sand.u32 $0x4000, s31;
	s1 =	sadd.s32 s1, s30  }
0xd0: {  	s0 =	sor.u32 s4, s0;
	s1 =	sshll.u32 s1, $0x11  }
0xd1: {  	s0 =	sor.u32 s1, s0  }
0xd2: {  	s0 =	sadd.s32 $0x8F2B, s0  }
0xd3: {  	[sflag:s0] =	ssyncadd.remote.s32 $0x1  }
0xd4: {  	_ =	sfence.sel $0xFFFF  }
0xd5: {  	[dreg:$0x0] =	wrdreg $0xFFFFFFFF;
	(pc) =	sbr.abs _section_cstart, $3  }
0xd6: {  	[dreg:$0x1] =	wrdreg $0xFFFFFFFF  }
0xd7: {  	_ =	task.clear_ibuf [dreg:s22], $0x2FFFF;
	_ =	strace $0x9FFFFFFF  }
0xd8: {  	(tm) =	ssettm $0x7FFFFFFF  }
0xd9: {  	_ =	shalt  }
tec
execute0_lowered:
.L_overlay_start_1:
0x0: {  	(tag) =	ssettag $0x1  }
0x1: {  	s1 =	rddreg [dreg:$0x0]  }
0x2: {  	s0 =	rddreg [dreg:$0x1]  }
0x3: {  	s2 =	rddreg [dreg:$0x2];
	s11 =	stileid.u32  }
0x4: {  	s3 =	srdreg.scid;
	s4 =	simm.s32 $0x0;
	s6 =	smul.u32 $0x13C00, s11  }
0x5: {  	s19 =	simm.s32 $0x200;
	s3 =	sand.u32 $0x1, s3;
	s9 =	smul.u32 $0x15, s11  }
0x6: {  	[smem:$0x7FF] =	sst s4;
	s7 =	sadd.s32 $0x1A00, s0;
	s10 =	smul.u32 $0x4F000, s11  }
0x7: {  	s8 =	sadd.s32 $0xB800, s0;
	s5 =	smul.u32 $0x13C000, s3;
	_ =	strace $0x8000004A  }
0x8: {  	s20 =	ssub.s32 $0x2, s3;
	p0 =	seq.s32 s3, $0x0;
	s3 =	smul.u32 $0x89, s11  }
0x9: {  	s21 =	sshrl.u32 s20, $0x1;
	s9 =	sadd.s32 $0x890, s9;
	s22 =	sshrl.u32 s10, $0x2  }
0xa: {  	s5 =	sadd.s32 s6, s5;
	s16 =	ssub.s32 s20, s21;
	s6 =	sadd.s32 s22, s2  }
0xb: {  	s9 =	smov.u32 @p0 s3;
	s20 =	simm.s32 $0x7;
	s23 =	sadd.s32 $0x4000, s6  }
0xc: {  	s5 =	sshrl.u32 s5, $0x3;
	s24 =	sadd.s32 $0x8000, s6;
	[dreg:$0x4] =	wrdreg s23  }
0xd: {  	s25 =	sshll.u32 s9, $0x4;
	s26 =	sadd.s32 $0xC000, s6;
	[dreg:$0x5] =	wrdreg s24  }
0xe: {  	s28 =	sadd.s32 $0x10000, s6;
	s31 =	smax.u32 s16, $0x1;
	[dreg:$0x6] =	wrdreg s26  }
0xf: {  	s0 =	sadd.s32 s5, s0;
	s5 =	simm.s32 $0x89;
	[dreg:$0x7] =	wrdreg s28  }
0x10: {  	s14 =	sadd.s32 $0x10, s25;
	s11 =	sadd.s32 s7, s25;
	s12 =	sadd.s32 s8, s25  }
0x11: {  	[dreg:$0xb] =	wrdreg s31;
	s24 =	simm.s32 $0x1;
	s29 =	sadd.s32 s7, s14  }
0x12: {  	s25 =	simm.s32 $0x0;
	s30 =	sadd.s32 s8, s14;
	[dreg:$0x8] =	wrdreg s29  }
0x13: {  	s5 =	simm.s32 @!p0 $0x15;
	s0 =	sadd.s32 $0x52200, s0;
	[dreg:$0x9] =	wrdreg s30  }
0x14: {  	v0 =	vimm.f32 $0.0e+00;
	s18 =	sadd.s32 $0x20, s11;
	[dreg:$0xa] =	wrdreg s0;
	s0 =	sadd.s32 $0x20, s12  }
.LBB2_1:
0x15: {  	s3 =	sand.u32 $0xFE00, s4  }
0x16: {  	s7 =	sand.u32 $0x70, s4;
	s8 =	sshrl.u32 s3, $0x2  }
0x17: {  	s3 =	simm.s32 $0x40;
	s8 =	sor.u32 s7, s8;
	s7 =	simm.s32 $0x0  }
.LBB2_2:
0x18: {  	p0 =	sne.s32 s3, $0xFFC0  }
0x19: {  	[tilespmem:s8+$0x200] =	vst v0;
	s7 =	sadd.s32 $0x10, s7;
	s8 =	smov.u32 s3;
	s3 =	sadd.s32 $0x40, s3  }
.Ltmp0:
0x1a: {  	(pc) =	sbr.rel @p0 .LBB2_2-.Ltmp0, $4  }
0x1b: {  	_ = 	snop  }
0x1c: {  	s8 =	sand.u32 $0xFE00, s8  }
0x1d: {  	s17 =	sand.u32 $0x70, s7;
	s8 =	sshrl.u32 s8, $0x2  }
0x1e: {  	s8 =	sor.u32 s17, s8  }
0x1f: {  	[tilespmem:s8+$0x200] =	vst v0  }
0x20: {  	[spmem:s6] =	stream.linear.scatter [tilespmem:s19], [sflag:$0x7], $0x4000, $0x38;
	[tilespmem:$0x1BE00] =	vst v63  }
0x21: {  	_ =	swait.ge [sflag:s20], $0x4000  }
0x22: {  	[sflag:s20] =	ssyncset.done $0x0  }
0x23: {  	s3 =	rddreg [dreg:$0x4];
	[sflag:s20] =	ssyncadd.s32 $0xFFFFC000  }
0x24: {  	[spmem:s3] =	stream.linear.scatter [tilespmem:s19], [sflag:$0x7], $0x4000, $0x38;
	[tilespmem:$0x1BE00] =	vst v63  }
0x25: {  	_ =	swait.ge [sflag:s20], $0x4000  }
0x26: {  	[sflag:s20] =	ssyncset.done $0x0  }
0x27: {  	s14 =	rddreg [dreg:$0x5];
	[sflag:s20] =	ssyncadd.s32 $0xFFFFC000  }
0x28: {  	[spmem:s14] =	stream.linear.scatter [tilespmem:s19], [sflag:$0x7], $0x4000, $0x38;
	[tilespmem:$0x1BE00] =	vst v63  }
0x29: {  	_ =	swait.ge [sflag:s20], $0x4000  }
0x2a: {  	[sflag:s20] =	ssyncset.done $0x0  }
0x2b: {  	s15 =	rddreg [dreg:$0x6];
	[sflag:s20] =	ssyncadd.s32 $0xFFFFC000  }
0x2c: {  	[spmem:s15] =	stream.linear.scatter [tilespmem:s19], [sflag:$0x7], $0x4000, $0x38;
	[tilespmem:$0x1BE00] =	vst v63  }
0x2d: {  	_ =	swait.ge [sflag:s20], $0x4000  }
0x2e: {  	[sflag:s20] =	ssyncset.done $0x0  }
0x2f: {  	s16 =	rddreg [dreg:$0x7];
	[sflag:s20] =	ssyncadd.s32 $0xFFFFC000  }
0x30: {  	[spmem:s16] =	stream.linear.scatter [tilespmem:s19], [sflag:$0x7], $0x3C00, $0x38;
	[tilespmem:$0x1BE00] =	vst v63  }
0x31: {  	_ =	swait.ge [sflag:s20], $0x3C00  }
0x32: {  	[sflag:s20] =	ssyncset.done $0x0  }
0x33: {  	[sflag:s20] =	ssyncadd.s32 $0xFFFFC400  }
0x34: {  	[bflag:$0x0] =	sbarrier.arrive $0xFFFF  }
0x35: {  	[tilespmem:s4], [sflag:$0x1] =	stream.linear.gather [hbm4b:s11+s4], $0x80, $0x38;
	[tilespmem:$0x1BE00] =	vst v63  }
0x36: {  	s17 =	simm.s32 $0x100  }
0x37: {  	[tilespmem:s17], [sflag:$0x3] =	stream.linear.gather [hbm4b:s12+s4], $0x80, $0x38;
	[tilespmem:$0x1BE00] =	vst v63  }
0x38: {  	s7 =	simm.s32 $0x80;
	s21 =	rddreg [dreg:$0x8]  }
0x39: {  	[tilespmem:s7], [sflag:$0x2] =	stream.linear.gather [hbm4b:s21+s4], $0x80, $0x38;
	[tilespmem:$0x1BE00] =	vst v63  }
0x3a: {  	s23 =	simm.s32 $0x180;
	s22 =	rddreg [dreg:$0x9]  }
0x3b: {  	[tilespmem:s23], [sflag:$0x4] =	stream.linear.gather [hbm4b:s22+s4], $0x80, $0x38;
	[tilespmem:$0x1BE00] =	vst v63  }
0x3c: {  	_ =	swait.ge [sflag:s24], $0x80  }
0x3d: {  	[sflag:s24] =	ssyncset.done $0x0  }
0x3e: {  	s26 =	simm.s32 $0x0;
	p1 =	sle.u32 s5, $0x1;
	[sflag:s24] =	ssyncadd.s32 $0xFFFFFF80  }
0x3f: {  	[tilespmem:s19], [sflag:$0x5] =	stream.indirect.gather [hbm4b:s1+s7], $0x80, s4, s7, $0xb8;
	[tilespmem:$0x1BE00] =	vst v63  }
0x40: {  	p0 =	sle.u32 s5, $0x0;
	s30 =	simm.s32 $0x4;
	s7 =	sand.u32 $0x1, s26  }
0x41: {  	s29 =	sadd.s32 $0x10, s18;
	p2 =	sle.u32 s5, $0x1;
	s3 =	sxor.u32 @!p1 $0x1, s7  }
0x42: {  	p0 =	por p0, p0;
	s23 =	simm.s32 @!p1 $0x80;
	s8 =	sadd.s32 @!p1 $0x1, s3  }
0x43: {  	s26 =	simm.s32 $0x3;
	s28 =	sadd.s32 @!p0 $0x5, s7;
	_ =	swait.ge @!p1 [sflag:s8], $0x80  }
0x44: {  	s17 =	sshll.u32 @!p1 s3, $0x7;
	s21 =	sshll.u32 @!p1 s3, $0xE;
	[sflag:s8] =	ssyncset.done @!p1 $0x0  }
0x45: {  	s3 =	sadd.s32 @!p1 $0x5, s3;
	[sflag:s8] =	ssyncadd.s32 @!p1 $0xFFFFFF80;
	s8 =	sor.u32 @!p1 $0x200, s21  }
0x46: {  	[tilespmem:s8], [sflag:s3] =	stream.indirect.gather @!p1 [hbm4b:s1+s23], $0x80, s17, s23, $0xb8;
	[tilespmem:$0x1BE00] =	vst v63  }
0x47: {  	s21 =	sshll.u32 @!p0 s7, $0x7;
	p1 =	sle.u32 s5, $0x2;
	_ =	swait.ge @!p0 [sflag:s28], $0x4000  }
0x48: {  	s8 =	sadd.s32 @!p0 $0x3, s7;
	s17 =	sshll.u32 @!p1 s7, $0x7;
	[sflag:s28] =	ssyncset.done @!p0 $0x0  }
0x49: {  	s3 =	sadd.s32 @!p1 $0x1, s7;
	s31 =	simm.s32 @!p1 $0x0;
	[sflag:s28] =	ssyncadd.s32 @!p0 $0xFFFFC000  }
0x4a: {  	[tilespmem:s17], [sflag:s3] =	stream.linear.gather @!p1 [hbm4b:s18+s31], $0x80, $0x38;
	[tilespmem:$0x1BE00] =	vst v63  }
0x4b: {  	s23 =	sshll.u32 @!p0 s7, $0xE;
	s21 =	sor.u32 @!p0 $0x100, s21;
	_ =	swait.ge @!p0 [sflag:s8], $0x80  }
0x4c: {  	s23 =	sor.u32 @!p0 $0x200, s23;
	s7 =	sadd.s32 @!p1 $0x3, s7;
	[sflag:s8] =	ssyncset.done @!p0 $0x0  }
0x4d: {  	s28 =	simm.s32 @!p0 $0x80;
	[sflag:s8] =	ssyncadd.s32 @!p0 $0xFFFFFF80;
	s8 =	simm.s32 @!p0 $0x7  }
0x4e: {  	[spmem:s2] =	stream.indirect.scatter.add.f32 @!p0 [tilespmem:s23], [sflag:$0x7], $0x80, s21, s28, $0xb8;
	[tilespmem:$0x1BE00] =	vst v63  }
0x4f: {  	s3 =	simm.s32 $0x1;
	s28 =	sadd.s32 $0x10, s0;
	_ =	swait.ge @!p0 [sflag:s8], $0x4000  }
0x50: {  	s23 =	sor.u32 @!p1 $0x100, s17;
	s17 =	smov.u32 s0;
	[sflag:s8] =	ssyncset.done @!p0 $0x0  }
.LBB2_4:
0x51: {  	s21 =	sand.u32 $0x1, s3  }
0x52: {  	s3 =	sadd.s32 $0xFFFFFFFF, s26;
	[sflag:s8] =	ssyncadd.s32 @!p0 $0xFFFFC000;
	s8 =	smov.u32 s26  }
0x53: {  	s26 =	smov.u32 s30;
	s9 =	smov.u32 s17;
	p0 =	por p2, p2  }
0x54: {  	p2 =	sge.u32 s3, s5;
	s10 =	sshll.u32 @!p0 s21, $0x7;
	s13 =	sshll.u32 @!p0 s21, $0xE  }
0x55: {  	s17 =	smov.u32 s28;
	s14 =	sxor.u32 @!p2 $0x1, s21  }
0x56: {  	s15 =	sadd.s32 @!p2 $0x1, s14;
	s16 =	sshll.u32 @!p2 s14, $0x7;
	s22 =	sshll.u32 @!p2 s14, $0xE  }
0x57: {  	[tilespmem:s23], [sflag:s7] =	stream.linear.gather @!p1 [hbm4b:s9+s31], $0x80, $0x38;
	[tilespmem:$0x1BE00] =	vst v63  }
0x58: {  	s30 =	sadd.s32 $0x1, s30;
	s3 =	sadd.s32 $0xFFFFFFFE, s26;
	_ =	swait.ge @!p2 [sflag:s15], $0x80  }
0x59: {  	s7 =	simm.s32 @!p2 $0x80;
	s9 =	sadd.s32 @!p0 $0x5, s21;
	[sflag:s15] =	ssyncset.done @!p2 $0x0  }
0x5a: {  	s14 =	sadd.s32 @!p2 $0x5, s14;
	[sflag:s15] =	ssyncadd.s32 @!p2 $0xFFFFFF80;
	s15 =	sor.u32 @!p2 $0x200, s22  }
0x5b: {  	[tilespmem:s15], [sflag:s14] =	stream.indirect.gather @!p2 [hbm4b:s1+s7], $0x80, s16, s7, $0xb8;
	[tilespmem:$0x1BE00] =	vst v63  }
0x5c: {  	p1 =	sge.u32 s8, s5;
	s7 =	sadd.s32 @!p0 $0x3, s21;
	_ =	swait.ge @!p0 [sflag:s9], $0x4000  }
0x5d: {  	s8 =	sadd.s32 @!p1 $0x1, s21;
	s14 =	sshll.u32 @!p1 s21, $0x7;
	[sflag:s9] =	ssyncset.done @!p0 $0x0  }
0x5e: {  	p3 =	sne.s32 s30, $0x8B;
	s31 =	simm.s32 @!p1 $0x0;
	[sflag:s9] =	ssyncadd.s32 @!p0 $0xFFFFC000  }
0x5f: {  	[tilespmem:s14], [sflag:s8] =	stream.linear.gather @!p1 [hbm4b:s29+s31], $0x80, $0x38;
	[tilespmem:$0x1BE00] =	vst v63  }
0x60: {  	s9 =	sor.u32 @!p0 $0x200, s13;
	s13 =	simm.s32 @!p0 $0x80;
	_ =	swait.ge @!p0 [sflag:s7], $0x80  }
.Ltmp1:
0x61: {  	s10 =	sor.u32 @!p0 $0x100, s10;
	[sflag:s7] =	ssyncset.done @!p0 $0x0;
	(pc) =	sbr.rel @p3 .LBB2_4-.Ltmp1, $4  }
0x62: {  	s8 =	simm.s32 @!p0 $0x7;
	s29 =	sadd.s32 $0x10, s29;
	[sflag:s7] =	ssyncadd.s32 @!p0 $0xFFFFFF80  }
0x63: {  	[spmem:s2] =	stream.indirect.scatter.add.f32 @!p0 [tilespmem:s9], [sflag:$0x7], $0x80, s10, s13, $0xb8;
	[tilespmem:$0x1BE00] =	vst v63  }
0x64: {  	s28 =	sadd.s32 $0x10, s28;
	p2 =	sge.u32 s3, s5;
	_ =	swait.ge @!p0 [sflag:s8], $0x4000  }
0x65: {  	s23 =	sor.u32 @!p1 $0x100, s14;
	s7 =	sadd.s32 @!p1 $0x3, s21;
	[sflag:s8] =	ssyncset.done @!p0 $0x0  }
0x66: {  	s9 =	sadd.s32 $0xFFFFFFFF, s26  }
0x67: {  	s3 =	sand.u32 $0x1, s3;
	[sflag:s8] =	ssyncadd.s32 @!p0 $0xFFFFC000;
	p3 =	sge.u32 s9, s5  }
0x68: {  	[tilespmem:s23], [sflag:s7] =	stream.linear.gather @!p1 [hbm4b:s17+s31], $0x80, $0x38;
	[tilespmem:$0x1BE00] =	vst v63  }
0x69: {  	p0 =	por p2, p2;
	s9 =	sxor.u32 @!p3 $0x1, s3  }
0x6a: {  	s14 =	sadd.s32 @!p0 $0x5, s3;
	s8 =	sadd.s32 @!p3 $0x1, s9  }
0x6b: {  	p1 =	sge.u32 s26, s5;
	s13 =	simm.s32 @!p3 $0x80;
	_ =	swait.ge @!p3 [sflag:s8], $0x80  }
0x6c: {  	s7 =	sshll.u32 @!p3 s9, $0x7;
	s10 =	sshll.u32 @!p3 s9, $0xE;
	[sflag:s8] =	ssyncset.done @!p3 $0x0  }
0x6d: {  	s9 =	sadd.s32 @!p3 $0x5, s9;
	[sflag:s8] =	ssyncadd.s32 @!p3 $0xFFFFFF80;
	s8 =	sor.u32 @!p3 $0x200, s10  }
0x6e: {  	[tilespmem:s8], [sflag:s9] =	stream.indirect.gather @!p3 [hbm4b:s1+s13], $0x80, s7, s13, $0xb8;
	[tilespmem:$0x1BE00] =	vst v63  }
0x6f: {  	s10 =	simm.s32 @!p1 $0x0;
	_ =	swait.ge @!p0 [sflag:s14], $0x4000  }
0x70: {  	s7 =	sadd.s32 @!p0 $0x3, s3;
	s8 =	sshll.u32 @!p1 s3, $0x7;
	[sflag:s14] =	ssyncset.done @!p0 $0x0  }
0x71: {  	s9 =	sadd.s32 @!p1 $0x1, s3;
	s13 =	sshll.u32 @!p0 s3, $0xE;
	[sflag:s14] =	ssyncadd.s32 @!p0 $0xFFFFC000  }
0x72: {  	[tilespmem:s8], [sflag:s9] =	stream.linear.gather @!p1 [hbm4b:s29+s10], $0x80, $0x38;
	[tilespmem:$0x1BE00] =	vst v63  }
0x73: {  	s13 =	sor.u32 @!p0 $0x200, s13;
	_ =	swait.ge @!p0 [sflag:s7], $0x80  }
0x74: {  	s14 =	simm.s32 @!p0 $0x80;
	s9 =	sshll.u32 @!p0 s3, $0x7;
	[sflag:s7] =	ssyncset.done @!p0 $0x0  }
0x75: {  	s9 =	sor.u32 @!p0 $0x100, s9;
	[sflag:s7] =	ssyncadd.s32 @!p0 $0xFFFFFF80;
	s7 =	simm.s32 @!p0 $0x7  }
0x76: {  	[spmem:s2] =	stream.indirect.scatter.add.f32 @!p0 [tilespmem:s13], [sflag:$0x7], $0x80, s9, s14, $0xb8;
	[tilespmem:$0x1BE00] =	vst v63  }
0x77: {  	_ =	swait.ge @!p0 [sflag:s7], $0x4000  }
0x78: {  	[sflag:s7] =	ssyncset.done @!p0 $0x0  }
0x79: {  	s8 =	sor.u32 @!p1 $0x100, s8;
	s3 =	sadd.s32 @!p1 $0x3, s3;
	[sflag:s7] =	ssyncadd.s32 @!p0 $0xFFFFC000  }
0x7a: {  	[tilespmem:s8], [sflag:s3] =	stream.linear.gather @!p1 [hbm4b:s28+s10], $0x80, $0x38;
	[tilespmem:$0x1BE00] =	vst v63  }
0x7b: {  	s28 =	stileid.u32  }
0x7c: {  	s3 =	sshll.u32 s28, $0x6;
	[bflag:$0x0] =	sbarrier.arrive $0xFFFF  }
0x7d: {  	s29 =	sshrl.u32 s6, $0x3;
	s3 =	sor.u32 $0x1C07, s3;
	s30 =	rddreg [dreg:$0xa]  }
0x7e: {  	[hbm:s30], [sflag:s3] =	dma.local [spmem:s29], $0x2780  }
0x7f: {  	_ =	swait.ge [sflag:s20], $0x2780  }
0x80: {  	s25 =	sadd.s32 $0x1, s25;
	s31 =	rddreg [dreg:$0xb]  }
0x81: {  	p0 =	sne.s32 s25, s31  }
.Ltmp2:
0x82: {  	_ = 	snop;
	(pc) =	sbr.rel @p0 .LBB2_1-.Ltmp2, $3  }
0x83: {  	_ =	sdelay $0x1  }
0x84: {  	[sflag:s20] =	ssyncset.done $0x0  }
0x85: {  	[sflag:s20] =	ssyncadd.s32 $0xFFFFD880  }
0x86: {  	_ =	sfence.sel $0x180000  }
0x87: {  	[bflag:$0x0] =	sbarrier.arrive $0xFFFF  }
0x88: {  	_ =	strace $0x9000004A  }
0x89: {  	s0 =	stileid.u32;
	[bflag:$0x2] =	sbarrier.arrive $0xFFFF  }
0x8a: {  	p0 =	sne.s32 s0, $0x0;
	s0 =	rddreg [dreg:$0x3]  }
0x8b: {  	s0 =	sadd.s32 @!p0 $0x100000, s0  }
0x8c: {  	[sflag:s0] =	ssyncadd.tile.s32 @!p0 $0x1;
	_ =	shalt  }
.Lfunc_end2:
_tile_overlayer_lowered:
.L_overlay_start_2:
0x8d: {  	(tag) =	ssettag $0x2  }
0x8e: {  	s0 =	rddreg [dreg:$0x0];
	s2 =	stileid.u32  }
0x8f: {  	s1 =	rddreg [dreg:$0x1];
	p0 =	sne.s32 s2, $0x0  }
0x90: {  	s3 =	rddreg [dreg:$0x2];
	[bflag:$0x3] =	sbarrier.arrive $0xFFFF;
	s2 =	simm.s32 @!p0 $0x1C07  }
0x91: {  	[timem:s3], [sflag:s2] =	dma.local @!p0 [hbm:s0], s1  }
0x92: {  	s0 =	simm.s32 @!p0 $0x7  }
0x93: {  	_ =	swait.ge @!p0 [sflag:s0], s1  }
0x94: {  	s1 =	ssub.s32 @!p0 $0x0, s1;
	[sflag:s0] =	ssyncset.done @!p0 $0x0  }
0x95: {  	[sflag:s0] =	ssyncadd.s32 @!p0 s1  }
0x96: {  	[bflag:$0x3] =	sbarrier.arrive $0xFFFF  }
0x97: {  	_ =	shalt  }

</sc_bundles>
